<compile_context>
chip_gen: v7x
topology: tpu7x:2x2x1
jax: 0.10.2.dev20260603
libtpu: 0.0.44.dev20260713+nightly
codegen_flags: <defaults>
</compile_context>

<pallas_src>
import jax
import jax.numpy as jnp
from jax import lax
from jax.experimental import pallas as pl
from jax.experimental.pallas import tpu as pltpu
from jax.experimental.pallas import tpu_sc as plsc

B, L = 1024, 256
NC, NS, LANES = 2, 16, 16
NW = NC * NS
ROWS = B // NW
NQ = 1
QROWS = ROWS // NQ
CHUNKS = L // LANES
UNROLL = 1


def _bpmll_body(x_hbm, t_hbm, out_hbm, x_v, t_v, o_v, *sems):
    wid = lax.axis_index("s") * NC + lax.axis_index("c")

    copies = []
    for q in range(NQ):
        sl = pl.ds(q * QROWS, QROWS)
        copies.append(pltpu.async_copy(x_hbm.at[wid, sl], x_v.at[sl], sems[2 * q]))
        copies.append(pltpu.async_copy(t_hbm.at[wid, sl], t_v.at[sl], sems[2 * q + 1]))

    zero = jnp.zeros((LANES,), jnp.float32)
    lanes = lax.iota(jnp.int32, LANES)
    m15 = lanes == (LANES - 1)
    lden = jnp.full((LANES,), float(L), jnp.float32)

    def sample_body(r, acc):
        tot, ep, npos = zero, zero, zero
        for c in range(CHUNKS):
            xv = x_v[r, pl.ds(c * LANES, LANES)]
            tv = t_v[r, pl.ds(c * LANES, LANES)]
            z = plsc.bitcast(
                plsc.bitcast(xv, jnp.int32) ^ (tv << 31), jnp.float32)
            e = jnp.exp(z)
            tf = tv.astype(jnp.float32)
            tot = tot + e
            ep = ep + e * tf
            npos = npos + tf
        tot_c = plsc.cumsum(tot)
        ep_c = plsc.cumsum(ep)
        np_c = plsc.cumsum(npos)
        loss = (tot_c - ep_c) * ep_c / (np_c * (lden - np_c))
        return acc + jnp.where(m15, loss, zero)

    acc = zero
    for q in range(NQ):
        copies[2 * q].wait()
        copies[2 * q + 1].wait()
        acc = lax.fori_loop(
            q * QROWS, (q + 1) * QROWS, sample_body, acc, unroll=UNROLL)
    o_v[...] = acc
    pltpu.sync_copy(o_v, out_hbm.at[pl.ds(wid * LANES, LANES)])


_sc_fn = None


def _get_sc_fn():
    global _sc_fn
    if _sc_fn is None:
        mesh = plsc.VectorSubcoreMesh(
            core_axis_name="c", subcore_axis_name="s", num_cores=NC, num_subcores=NS
        )
        _sc_fn = pl.kernel(
            _bpmll_body,
            out_type=jax.ShapeDtypeStruct((NW * LANES,), jnp.float32),
            mesh=mesh,
            scratch_types=[
                pltpu.VMEM((ROWS, L), jnp.float32),
                pltpu.VMEM((ROWS, L), jnp.int32),
                pltpu.VMEM((LANES,), jnp.float32),
            ] + [pltpu.SemaphoreType.DMA] * (2 * NQ),
            compiler_params=pltpu.CompilerParams(needs_layout_passes=False),
        )
    return _sc_fn


def kernel(input, target):
    xr = input.reshape(NW, ROWS, L)
    tr = target.astype(jnp.int32).reshape(NW, ROWS, L)
    partials = _get_sc_fn()(xr, tr)
    return jnp.sum(partials)

# --- scband reference (transcript-rebuilt; emitter-appended) ---
"""Pipeline reference for scband-bpmllloss-86998857548253 (READ-ONLY COPY).

The authoritative reference and input builder live on the scoring server;
editing this copy changes nothing except your own understanding.
"""

import jax, jax.numpy as jnp
import numpy as np


def setup_inputs(seed: int = 0) -> dict:
    key = jax.random.key(seed)
    k1, k2 = jax.random.split(key)
    B, L = 1024, 256
    inp = jax.random.normal(k1, (B, L), dtype=jnp.float32)
    target = jax.random.randint(k2, (B, L), 0, 2).astype(jnp.int64)
    return {"input": inp, "target": target}


def reference(input, target):
    # BP-MLL loss. Note: the original torch forward references `output`,
    # which can only resolve as the scores passed in; we treat output := input.
    y_i = (target == 1)
    y_i_bar = (target != 1)
    # truth_matrix[b, i, j] = (label i positive) AND (label j negative)
    truth_matrix = jnp.logical_and(y_i[:, :, None], y_i_bar[:, None, :])
    # exp_matrix[b, i, j] = exp(output[b, j] - output[b, i])
    exp_matrix = jnp.exp(input[:, None, :] - input[:, :, None])
    length = truth_matrix.sum(axis=(1, 2))
    # pad_sequence(split(...)).sum(dim=0) over the ragged selected values is
    # exactly a per-sample masked sum (padding contributes zeros).
    inner_sum = jnp.where(truth_matrix, exp_matrix, 0.0).sum(axis=(1, 2))
    losses = (1.0 / length.astype(jnp.float32)) * inner_sum
    return losses.sum()


if False:  # reference __main__ guard neutralized (emitter)
    out = reference(**setup_inputs())
    print(out.shape, out.dtype)

if __name__ == "__main__":
    import jax
    _d = setup_inputs()
    print(jax.jit(kernel)(*tuple(_d.values())))

</pallas_src>

<mosaic_0001>
#map = affine_map<(d0, d1) -> (0, 0, 0)>
#map1 = affine_map<(d0, d1) -> (0)>
module attributes {stable_mosaic.version = 14 : i64} {
  func.func @_bpmll_body(%arg0: i32, %arg1: i32, %arg2: memref<32x32x256xf32, #tpu.memory_space<hbm>>, %arg3: memref<32x32x256xi32, #tpu.memory_space<hbm>>, %arg4: memref<512xf32, #tpu.memory_space<hbm>>, %arg5: memref<32x256xf32, #tpu.memory_space<vmem>>, %arg6: memref<32x256xi32, #tpu.memory_space<vmem>>, %arg7: memref<16xf32, #tpu.memory_space<vmem>>, %arg8: memref<!tpu.dma_semaphore, #tpu.memory_space<semaphore_mem>>, %arg9: memref<!tpu.dma_semaphore, #tpu.memory_space<semaphore_mem>>) attributes {dimension_semantics = [#tpu.dimension_semantics<core_parallel>, #tpu.dimension_semantics<subcore_parallel>], iteration_bounds = array<i64: 2, 16>, scalar_prefetch = 0 : i64, scratch_operands = 5 : i64, tpu.core_type = #tpu.core_type<sc_vector_subcore>, window_params = [{transform_indices = #map}, {transform_indices = #map}, {transform_indices = #map1}]} {
    %mul3A = arith.constant 2 : i32
    %mul3A_0 = arith.muli %arg1, %mul3A : i32
    %add3A = arith.addi %mul3A_0, %arg0 : i32
    %dma_start3A = arith.constant 0 : i32
    %dma_start3A_1 = arith.constant 0 : i32
    %dma_start3A_2 = tpu.memref_slice %arg5[%dma_start3A, %dma_start3A_1] : memref<32x256xf32, #tpu.memory_space<vmem>> -> memref<32x256xf32, #tpu.memory_space<vmem>>
    %dma_start3A_3 = arith.constant 0 : i32
    %dma_start3A_4 = arith.constant 0 : i32
    %dma_start3A_5 = tpu.memref_slice %arg2[%add3A, %dma_start3A_3, %dma_start3A_4] : memref<32x32x256xf32, #tpu.memory_space<hbm>> -> memref<1x32x256xf32, #tpu.memory_space<hbm>>
    %dma_start3A_6 = tpu.memref_squeeze %dma_start3A_5 : memref<1x32x256xf32, #tpu.memory_space<hbm>> -> memref<32x256xf32, #tpu.memory_space<hbm>>
    %dma_start3A_7 = arith.constant 0 : i32
    %dma_start3A_8 = arith.constant 0 : i32
    %dma_start3A_9 = tpu.memref_slice %arg5[%dma_start3A_7, %dma_start3A_8] : memref<32x256xf32, #tpu.memory_space<vmem>> -> memref<32x256xf32, #tpu.memory_space<vmem>>
    %dma_start3A_10 = arith.constant 0 : i32
    %dma_start3A_11 = arith.constant 0 : i32
    %dma_start3A_12 = tpu.memref_slice %arg2[%add3A, %dma_start3A_10, %dma_start3A_11] : memref<32x32x256xf32, #tpu.memory_space<hbm>> -> memref<1x32x256xf32, #tpu.memory_space<hbm>>
    %dma_start3A_13 = tpu.memref_squeeze %dma_start3A_12 : memref<1x32x256xf32, #tpu.memory_space<hbm>> -> memref<32x256xf32, #tpu.memory_space<hbm>>
    tpu.enqueue_dma source(%dma_start3A_13 : memref<32x256xf32, #tpu.memory_space<hbm>>) target(%dma_start3A_9 : memref<32x256xf32, #tpu.memory_space<vmem>>) target_semaphore(%arg8 : memref<!tpu.dma_semaphore, #tpu.memory_space<semaphore_mem>>)
    %dma_start3A_14 = arith.constant 0 : i32
    %dma_start3A_15 = arith.constant 0 : i32
    %dma_start3A_16 = tpu.memref_slice %arg6[%dma_start3A_14, %dma_start3A_15] : memref<32x256xi32, #tpu.memory_space<vmem>> -> memref<32x256xi32, #tpu.memory_space<vmem>>
    %dma_start3A_17 = arith.constant 0 : i32
    %dma_start3A_18 = arith.constant 0 : i32
    %dma_start3A_19 = tpu.memref_slice %arg3[%add3A, %dma_start3A_17, %dma_start3A_18] : memref<32x32x256xi32, #tpu.memory_space<hbm>> -> memref<1x32x256xi32, #tpu.memory_space<hbm>>
    %dma_start3A_20 = tpu.memref_squeeze %dma_start3A_19 : memref<1x32x256xi32, #tpu.memory_space<hbm>> -> memref<32x256xi32, #tpu.memory_space<hbm>>
    %dma_start3A_21 = arith.constant 0 : i32
    %dma_start3A_22 = arith.constant 0 : i32
    %dma_start3A_23 = tpu.memref_slice %arg6[%dma_start3A_21, %dma_start3A_22] : memref<32x256xi32, #tpu.memory_space<vmem>> -> memref<32x256xi32, #tpu.memory_space<vmem>>
    %dma_start3A_24 = arith.constant 0 : i32
    %dma_start3A_25 = arith.constant 0 : i32
    %dma_start3A_26 = tpu.memref_slice %arg3[%add3A, %dma_start3A_24, %dma_start3A_25] : memref<32x32x256xi32, #tpu.memory_space<hbm>> -> memref<1x32x256xi32, #tpu.memory_space<hbm>>
    %dma_start3A_27 = tpu.memref_squeeze %dma_start3A_26 : memref<1x32x256xi32, #tpu.memory_space<hbm>> -> memref<32x256xi32, #tpu.memory_space<hbm>>
    tpu.enqueue_dma source(%dma_start3A_27 : memref<32x256xi32, #tpu.memory_space<hbm>>) target(%dma_start3A_23 : memref<32x256xi32, #tpu.memory_space<vmem>>) target_semaphore(%arg9 : memref<!tpu.dma_semaphore, #tpu.memory_space<semaphore_mem>>)
    %broadcast_in_dim3A = arith.constant 0.000000e+00 : f32
    %broadcast_in_dim3A_28 = vector.broadcast %broadcast_in_dim3A : f32 to vector<16xf32>
    %iota3A = tpu.iota {dimensions = array<i32: 0>} : vector<16xi32>
    %eq3A = arith.constant 15 : i32
    %eq3A_29 = vector.broadcast %eq3A : i32 to vector<16xi32>
    %eq3A_30 = arith.cmpi eq, %iota3A, %eq3A_29 : vector<16xi32>
    %broadcast_in_dim3A_31 = arith.constant 2.560000e+02 : f32
    %broadcast_in_dim3A_32 = vector.broadcast %broadcast_in_dim3A_31 : f32 to vector<16xf32>
    %dma_wait3A = arith.constant 0 : i32
    %dma_wait3A_33 = arith.constant 0 : i32
    %dma_wait3A_34 = tpu.memref_slice %arg5[%dma_wait3A, %dma_wait3A_33] : memref<32x256xf32, #tpu.memory_space<vmem>> -> memref<32x256xf32, #tpu.memory_space<vmem>>
    %dma_wait3A_35 = arith.constant 0 : i32
    %dma_wait3A_36 = arith.constant 0 : i32
    %dma_wait3A_37 = tpu.memref_slice %arg2[%add3A, %dma_wait3A_35, %dma_wait3A_36] : memref<32x32x256xf32, #tpu.memory_space<hbm>> -> memref<1x32x256xf32, #tpu.memory_space<hbm>>
    %dma_wait3A_38 = tpu.memref_squeeze %dma_wait3A_37 : memref<1x32x256xf32, #tpu.memory_space<hbm>> -> memref<32x256xf32, #tpu.memory_space<hbm>>
    %dma_wait3A_39 = arith.constant 0 : i32
    %dma_wait3A_40 = arith.constant 0 : i32
    %dma_wait3A_41 = tpu.memref_slice %arg5[%dma_wait3A_39, %dma_wait3A_40] : memref<32x256xf32, #tpu.memory_space<vmem>> -> memref<32x256xf32, #tpu.memory_space<vmem>>
    %dma_wait3A_42 = arith.constant 0 : i32
    %dma_wait3A_43 = arith.constant 0 : i32
    %dma_wait3A_44 = tpu.memref_slice %arg2[%add3A, %dma_wait3A_42, %dma_wait3A_43] : memref<32x32x256xf32, #tpu.memory_space<hbm>> -> memref<1x32x256xf32, #tpu.memory_space<hbm>>
    %dma_wait3A_45 = tpu.memref_squeeze %dma_wait3A_44 : memref<1x32x256xf32, #tpu.memory_space<hbm>> -> memref<32x256xf32, #tpu.memory_space<hbm>>
    tpu.wait_dma2 semaphore(%arg8 : memref<!tpu.dma_semaphore, #tpu.memory_space<semaphore_mem>>) src(%dma_wait3A_45 : memref<32x256xf32, #tpu.memory_space<hbm>>) dst(%dma_wait3A_41 : memref<32x256xf32, #tpu.memory_space<vmem>>)
    %dma_wait3A_46 = arith.constant 0 : i32
    %dma_wait3A_47 = arith.constant 0 : i32
    %dma_wait3A_48 = tpu.memref_slice %arg6[%dma_wait3A_46, %dma_wait3A_47] : memref<32x256xi32, #tpu.memory_space<vmem>> -> memref<32x256xi32, #tpu.memory_space<vmem>>
    %dma_wait3A_49 = arith.constant 0 : i32
    %dma_wait3A_50 = arith.constant 0 : i32
    %dma_wait3A_51 = tpu.memref_slice %arg3[%add3A, %dma_wait3A_49, %dma_wait3A_50] : memref<32x32x256xi32, #tpu.memory_space<hbm>> -> memref<1x32x256xi32, #tpu.memory_space<hbm>>
    %dma_wait3A_52 = tpu.memref_squeeze %dma_wait3A_51 : memref<1x32x256xi32, #tpu.memory_space<hbm>> -> memref<32x256xi32, #tpu.memory_space<hbm>>
    %dma_wait3A_53 = arith.constant 0 : i32
    %dma_wait3A_54 = arith.constant 0 : i32
    %dma_wait3A_55 = tpu.memref_slice %arg6[%dma_wait3A_53, %dma_wait3A_54] : memref<32x256xi32, #tpu.memory_space<vmem>> -> memref<32x256xi32, #tpu.memory_space<vmem>>
    %dma_wait3A_56 = arith.constant 0 : i32
    %dma_wait3A_57 = arith.constant 0 : i32
    %dma_wait3A_58 = tpu.memref_slice %arg3[%add3A, %dma_wait3A_56, %dma_wait3A_57] : memref<32x32x256xi32, #tpu.memory_space<hbm>> -> memref<1x32x256xi32, #tpu.memory_space<hbm>>
    %dma_wait3A_59 = tpu.memref_squeeze %dma_wait3A_58 : memref<1x32x256xi32, #tpu.memory_space<hbm>> -> memref<32x256xi32, #tpu.memory_space<hbm>>
    tpu.wait_dma2 semaphore(%arg9 : memref<!tpu.dma_semaphore, #tpu.memory_space<semaphore_mem>>) src(%dma_wait3A_59 : memref<32x256xi32, #tpu.memory_space<hbm>>) dst(%dma_wait3A_55 : memref<32x256xi32, #tpu.memory_space<vmem>>)
    %scan3A = arith.constant 0 : i32
    %scan3A_60 = arith.constant 32 : i32
    %scan3A_61 = arith.addi %scan3A, %scan3A_60 : i32
    %scan3A_62 = arith.constant 1 : i32
    %scan3A_63 = scf.for %scan3A_68 = %scan3A to %scan3A_61 step %scan3A_62 iter_args(%scan3A_69 = %broadcast_in_dim3A_28) -> (vector<16xf32>)  : i32 {
      %get3A = arith.index_cast %scan3A_68 : i32 to index
      %get3A_70 = arith.constant 0 : index
      %get3A_71 = tpu.vector_load %arg5[%get3A, %get3A_70] {strides = array<i32>} : memref<32x256xf32, #tpu.memory_space<vmem>>, vector<16xf32>,
      %get3A_72 = arith.index_cast %scan3A_68 : i32 to index
      %get3A_73 = arith.constant 0 : index
      %get3A_74 = tpu.vector_load %arg6[%get3A_72, %get3A_73] {strides = array<i32>} : memref<32x256xi32, #tpu.memory_space<vmem>>, vector<16xi32>,
      %bitcast3A = vector.bitcast %get3A_71 : vector<16xf32> to vector<16xi32>
      %shift_left3A = arith.constant 31 : i32
      %shift_left3A_75 = vector.broadcast %shift_left3A : i32 to vector<16xi32>
      %shift_left3A_76 = arith.shli %get3A_74, %shift_left3A_75 : vector<16xi32>
      %xor3A = arith.xori %bitcast3A, %shift_left3A_76 : vector<16xi32>
      %bitcast3A_77 = vector.bitcast %xor3A : vector<16xi32> to vector<16xf32>
      %exp3A = math.exp %bitcast3A_77 : vector<16xf32>
      %convert_element_type3A = arith.sitofp %get3A_74 : vector<16xi32> to vector<16xf32>
      %add3A_78 = arith.addf %broadcast_in_dim3A_28, %exp3A : vector<16xf32>
      %mul3A_79 = arith.mulf %exp3A, %convert_element_type3A : vector<16xf32>
      %add3A_80 = arith.addf %broadcast_in_dim3A_28, %mul3A_79 : vector<16xf32>
      %add3A_81 = arith.addf %broadcast_in_dim3A_28, %convert_element_type3A : vector<16xf32>
      %get3A_82 = arith.index_cast %scan3A_68 : i32 to index
      %get3A_83 = arith.constant 16 : index
      %get3A_84 = tpu.vector_load %arg5[%get3A_82, %get3A_83] {strides = array<i32>} : memref<32x256xf32, #tpu.memory_space<vmem>>, vector<16xf32>,
      %get3A_85 = arith.index_cast %scan3A_68 : i32 to index
      %get3A_86 = arith.constant 16 : index
      %get3A_87 = tpu.vector_load %arg6[%get3A_85, %get3A_86] {strides = array<i32>} : memref<32x256xi32, #tpu.memory_space<vmem>>, vector<16xi32>,
      %bitcast3A_88 = vector.bitcast %get3A_84 : vector<16xf32> to vector<16xi32>
      %shift_left3A_89 = arith.constant 31 : i32
      %shift_left3A_90 = vector.broadcast %shift_left3A_89 : i32 to vector<16xi32>
      %shift_left3A_91 = arith.shli %get3A_87, %shift_left3A_90 : vector<16xi32>
      %xor3A_92 = arith.xori %bitcast3A_88, %shift_left3A_91 : vector<16xi32>
      %bitcast3A_93 = vector.bitcast %xor3A_92 : vector<16xi32> to vector<16xf32>
      %exp3A_94 = math.exp %bitcast3A_93 : vector<16xf32>
      %convert_element_type3A_95 = arith.sitofp %get3A_87 : vector<16xi32> to vector<16xf32>
      %add3A_96 = arith.addf %add3A_78, %exp3A_94 : vector<16xf32>
      %mul3A_97 = arith.mulf %exp3A_94, %convert_element_type3A_95 : vector<16xf32>
      %add3A_98 = arith.addf %add3A_80, %mul3A_97 : vector<16xf32>
      %add3A_99 = arith.addf %add3A_81, %convert_element_type3A_95 : vector<16xf32>
      %get3A_100 = arith.index_cast %scan3A_68 : i32 to index
      %get3A_101 = arith.constant 32 : index
      %get3A_102 = tpu.vector_load %arg5[%get3A_100, %get3A_101] {strides = array<i32>} : memref<32x256xf32, #tpu.memory_space<vmem>>, vector<16xf32>,
      %get3A_103 = arith.index_cast %scan3A_68 : i32 to index
      %get3A_104 = arith.constant 32 : index
      %get3A_105 = tpu.vector_load %arg6[%get3A_103, %get3A_104] {strides = array<i32>} : memref<32x256xi32, #tpu.memory_space<vmem>>, vector<16xi32>,
      %bitcast3A_106 = vector.bitcast %get3A_102 : vector<16xf32> to vector<16xi32>
      %shift_left3A_107 = arith.constant 31 : i32
      %shift_left3A_108 = vector.broadcast %shift_left3A_107 : i32 to vector<16xi32>
      %shift_left3A_109 = arith.shli %get3A_105, %shift_left3A_108 : vector<16xi32>
      %xor3A_110 = arith.xori %bitcast3A_106, %shift_left3A_109 : vector<16xi32>
      %bitcast3A_111 = vector.bitcast %xor3A_110 : vector<16xi32> to vector<16xf32>
      %exp3A_112 = math.exp %bitcast3A_111 : vector<16xf32>
      %convert_element_type3A_113 = arith.sitofp %get3A_105 : vector<16xi32> to vector<16xf32>
      %add3A_114 = arith.addf %add3A_96, %exp3A_112 : vector<16xf32>
      %mul3A_115 = arith.mulf %exp3A_112, %convert_element_type3A_113 : vector<16xf32>
      %add3A_116 = arith.addf %add3A_98, %mul3A_115 : vector<16xf32>
      %add3A_117 = arith.addf %add3A_99, %convert_element_type3A_113 : vector<16xf32>
      %get3A_118 = arith.index_cast %scan3A_68 : i32 to index
      %get3A_119 = arith.constant 48 : index
      %get3A_120 = tpu.vector_load %arg5[%get3A_118, %get3A_119] {strides = array<i32>} : memref<32x256xf32, #tpu.memory_space<vmem>>, vector<16xf32>,
      %get3A_121 = arith.index_cast %scan3A_68 : i32 to index
      %get3A_122 = arith.constant 48 : index
      %get3A_123 = tpu.vector_load %arg6[%get3A_121, %get3A_122] {strides = array<i32>} : memref<32x256xi32, #tpu.memory_space<vmem>>, vector<16xi32>,
      %bitcast3A_124 = vector.bitcast %get3A_120 : vector<16xf32> to vector<16xi32>
      %shift_left3A_125 = arith.constant 31 : i32
      %shift_left3A_126 = vector.broadcast %shift_left3A_125 : i32 to vector<16xi32>
      %shift_left3A_127 = arith.shli %get3A_123, %shift_left3A_126 : vector<16xi32>
      %xor3A_128 = arith.xori %bitcast3A_124, %shift_left3A_127 : vector<16xi32>
      %bitcast3A_129 = vector.bitcast %xor3A_128 : vector<16xi32> to vector<16xf32>
      %exp3A_130 = math.exp %bitcast3A_129 : vector<16xf32>
      %convert_element_type3A_131 = arith.sitofp %get3A_123 : vector<16xi32> to vector<16xf32>
      %add3A_132 = arith.addf %add3A_114, %exp3A_130 : vector<16xf32>
      %mul3A_133 = arith.mulf %exp3A_130, %convert_element_type3A_131 : vector<16xf32>
      %add3A_134 = arith.addf %add3A_116, %mul3A_133 : vector<16xf32>
      %add3A_135 = arith.addf %add3A_117, %convert_element_type3A_131 : vector<16xf32>
      %get3A_136 = arith.index_cast %scan3A_68 : i32 to index
      %get3A_137 = arith.constant 64 : index
      %get3A_138 = tpu.vector_load %arg5[%get3A_136, %get3A_137] {strides = array<i32>} : memref<32x256xf32, #tpu.memory_space<vmem>>, vector<16xf32>,
      %get3A_139 = arith.index_cast %scan3A_68 : i32 to index
      %get3A_140 = arith.constant 64 : index
      %get3A_141 = tpu.vector_load %arg6[%get3A_139, %get3A_140] {strides = array<i32>} : memref<32x256xi32, #tpu.memory_space<vmem>>, vector<16xi32>,
      %bitcast3A_142 = vector.bitcast %get3A_138 : vector<16xf32> to vector<16xi32>
      %shift_left3A_143 = arith.constant 31 : i32
      %shift_left3A_144 = vector.broadcast %shift_left3A_143 : i32 to vector<16xi32>
      %shift_left3A_145 = arith.shli %get3A_141, %shift_left3A_144 : vector<16xi32>
      %xor3A_146 = arith.xori %bitcast3A_142, %shift_left3A_145 : vector<16xi32>
      %bitcast3A_147 = vector.bitcast %xor3A_146 : vector<16xi32> to vector<16xf32>
      %exp3A_148 = math.exp %bitcast3A_147 : vector<16xf32>
      %convert_element_type3A_149 = arith.sitofp %get3A_141 : vector<16xi32> to vector<16xf32>
      %add3A_150 = arith.addf %add3A_132, %exp3A_148 : vector<16xf32>
      %mul3A_151 = arith.mulf %exp3A_148, %convert_element_type3A_149 : vector<16xf32>
      %add3A_152 = arith.addf %add3A_134, %mul3A_151 : vector<16xf32>
      %add3A_153 = arith.addf %add3A_135, %convert_element_type3A_149 : vector<16xf32>
      %get3A_154 = arith.index_cast %scan3A_68 : i32 to index
      %get3A_155 = arith.constant 80 : index
      %get3A_156 = tpu.vector_load %arg5[%get3A_154, %get3A_155] {strides = array<i32>} : memref<32x256xf32, #tpu.memory_space<vmem>>, vector<16xf32>,
      %get3A_157 = arith.index_cast %scan3A_68 : i32 to index
      %get3A_158 = arith.constant 80 : index
      %get3A_159 = tpu.vector_load %arg6[%get3A_157, %get3A_158] {strides = array<i32>} : memref<32x256xi32, #tpu.memory_space<vmem>>, vector<16xi32>,
      %bitcast3A_160 = vector.bitcast %get3A_156 : vector<16xf32> to vector<16xi32>
      %shift_left3A_161 = arith.constant 31 : i32
      %shift_left3A_162 = vector.broadcast %shift_left3A_161 : i32 to vector<16xi32>
      %shift_left3A_163 = arith.shli %get3A_159, %shift_left3A_162 : vector<16xi32>
      %xor3A_164 = arith.xori %bitcast3A_160, %shift_left3A_163 : vector<16xi32>
      %bitcast3A_165 = vector.bitcast %xor3A_164 : vector<16xi32> to vector<16xf32>
      %exp3A_166 = math.exp %bitcast3A_165 : vector<16xf32>
      %convert_element_type3A_167 = arith.sitofp %get3A_159 : vector<16xi32> to vector<16xf32>
      %add3A_168 = arith.addf %add3A_150, %exp3A_166 : vector<16xf32>
      %mul3A_169 = arith.mulf %exp3A_166, %convert_element_type3A_167 : vector<16xf32>
      %add3A_170 = arith.addf %add3A_152, %mul3A_169 : vector<16xf32>
      %add3A_171 = arith.addf %add3A_153, %convert_element_type3A_167 : vector<16xf32>
      %get3A_172 = arith.index_cast %scan3A_68 : i32 to index
      %get3A_173 = arith.constant 96 : index
      %get3A_174 = tpu.vector_load %arg5[%get3A_172, %get3A_173] {strides = array<i32>} : memref<32x256xf32, #tpu.memory_space<vmem>>, vector<16xf32>,
      %get3A_175 = arith.index_cast %scan3A_68 : i32 to index
      %get3A_176 = arith.constant 96 : index
      %get3A_177 = tpu.vector_load %arg6[%get3A_175, %get3A_176] {strides = array<i32>} : memref<32x256xi32, #tpu.memory_space<vmem>>, vector<16xi32>,
      %bitcast3A_178 = vector.bitcast %get3A_174 : vector<16xf32> to vector<16xi32>
      %shift_left3A_179 = arith.constant 31 : i32
      %shift_left3A_180 = vector.broadcast %shift_left3A_179 : i32 to vector<16xi32>
      %shift_left3A_181 = arith.shli %get3A_177, %shift_left3A_180 : vector<16xi32>
      %xor3A_182 = arith.xori %bitcast3A_178, %shift_left3A_181 : vector<16xi32>
      %bitcast3A_183 = vector.bitcast %xor3A_182 : vector<16xi32> to vector<16xf32>
      %exp3A_184 = math.exp %bitcast3A_183 : vector<16xf32>
      %convert_element_type3A_185 = arith.sitofp %get3A_177 : vector<16xi32> to vector<16xf32>
      %add3A_186 = arith.addf %add3A_168, %exp3A_184 : vector<16xf32>
      %mul3A_187 = arith.mulf %exp3A_184, %convert_element_type3A_185 : vector<16xf32>
      %add3A_188 = arith.addf %add3A_170, %mul3A_187 : vector<16xf32>
      %add3A_189 = arith.addf %add3A_171, %convert_element_type3A_185 : vector<16xf32>
      %get3A_190 = arith.index_cast %scan3A_68 : i32 to index
      %get3A_191 = arith.constant 112 : index
      %get3A_192 = tpu.vector_load %arg5[%get3A_190, %get3A_191] {strides = array<i32>} : memref<32x256xf32, #tpu.memory_space<vmem>>, vector<16xf32>,
      %get3A_193 = arith.index_cast %scan3A_68 : i32 to index
      %get3A_194 = arith.constant 112 : index
      %get3A_195 = tpu.vector_load %arg6[%get3A_193, %get3A_194] {strides = array<i32>} : memref<32x256xi32, #tpu.memory_space<vmem>>, vector<16xi32>,
      %bitcast3A_196 = vector.bitcast %get3A_192 : vector<16xf32> to vector<16xi32>
      %shift_left3A_197 = arith.constant 31 : i32
      %shift_left3A_198 = vector.broadcast %shift_left3A_197 : i32 to vector<16xi32>
      %shift_left3A_199 = arith.shli %get3A_195, %shift_left3A_198 : vector<16xi32>
      %xor3A_200 = arith.xori %bitcast3A_196, %shift_left3A_199 : vector<16xi32>
      %bitcast3A_201 = vector.bitcast %xor3A_200 : vector<16xi32> to vector<16xf32>
      %exp3A_202 = math.exp %bitcast3A_201 : vector<16xf32>
      %convert_element_type3A_203 = arith.sitofp %get3A_195 : vector<16xi32> to vector<16xf32>
      %add3A_204 = arith.addf %add3A_186, %exp3A_202 : vector<16xf32>
      %mul3A_205 = arith.mulf %exp3A_202, %convert_element_type3A_203 : vector<16xf32>
      %add3A_206 = arith.addf %add3A_188, %mul3A_205 : vector<16xf32>
      %add3A_207 = arith.addf %add3A_189, %convert_element_type3A_203 : vector<16xf32>
      %get3A_208 = arith.index_cast %scan3A_68 : i32 to index
      %get3A_209 = arith.constant 128 : index
      %get3A_210 = tpu.vector_load %arg5[%get3A_208, %get3A_209] {strides = array<i32>} : memref<32x256xf32, #tpu.memory_space<vmem>>, vector<16xf32>,
      %get3A_211 = arith.index_cast %scan3A_68 : i32 to index
      %get3A_212 = arith.constant 128 : index
      %get3A_213 = tpu.vector_load %arg6[%get3A_211, %get3A_212] {strides = array<i32>} : memref<32x256xi32, #tpu.memory_space<vmem>>, vector<16xi32>,
      %bitcast3A_214 = vector.bitcast %get3A_210 : vector<16xf32> to vector<16xi32>
      %shift_left3A_215 = arith.constant 31 : i32
      %shift_left3A_216 = vector.broadcast %shift_left3A_215 : i32 to vector<16xi32>
      %shift_left3A_217 = arith.shli %get3A_213, %shift_left3A_216 : vector<16xi32>
      %xor3A_218 = arith.xori %bitcast3A_214, %shift_left3A_217 : vector<16xi32>
      %bitcast3A_219 = vector.bitcast %xor3A_218 : vector<16xi32> to vector<16xf32>
      %exp3A_220 = math.exp %bitcast3A_219 : vector<16xf32>
      %convert_element_type3A_221 = arith.sitofp %get3A_213 : vector<16xi32> to vector<16xf32>
      %add3A_222 = arith.addf %add3A_204, %exp3A_220 : vector<16xf32>
      %mul3A_223 = arith.mulf %exp3A_220, %convert_element_type3A_221 : vector<16xf32>
      %add3A_224 = arith.addf %add3A_206, %mul3A_223 : vector<16xf32>
      %add3A_225 = arith.addf %add3A_207, %convert_element_type3A_221 : vector<16xf32>
      %get3A_226 = arith.index_cast %scan3A_68 : i32 to index
      %get3A_227 = arith.constant 144 : index
      %get3A_228 = tpu.vector_load %arg5[%get3A_226, %get3A_227] {strides = array<i32>} : memref<32x256xf32, #tpu.memory_space<vmem>>, vector<16xf32>,
      %get3A_229 = arith.index_cast %scan3A_68 : i32 to index
      %get3A_230 = arith.constant 144 : index
      %get3A_231 = tpu.vector_load %arg6[%get3A_229, %get3A_230] {strides = array<i32>} : memref<32x256xi32, #tpu.memory_space<vmem>>, vector<16xi32>,
      %bitcast3A_232 = vector.bitcast %get3A_228 : vector<16xf32> to vector<16xi32>
      %shift_left3A_233 = arith.constant 31 : i32
      %shift_left3A_234 = vector.broadcast %shift_left3A_233 : i32 to vector<16xi32>
      %shift_left3A_235 = arith.shli %get3A_231, %shift_left3A_234 : vector<16xi32>
      %xor3A_236 = arith.xori %bitcast3A_232, %shift_left3A_235 : vector<16xi32>
      %bitcast3A_237 = vector.bitcast %xor3A_236 : vector<16xi32> to vector<16xf32>
      %exp3A_238 = math.exp %bitcast3A_237 : vector<16xf32>
      %convert_element_type3A_239 = arith.sitofp %get3A_231 : vector<16xi32> to vector<16xf32>
      %add3A_240 = arith.addf %add3A_222, %exp3A_238 : vector<16xf32>
      %mul3A_241 = arith.mulf %exp3A_238, %convert_element_type3A_239 : vector<16xf32>
      %add3A_242 = arith.addf %add3A_224, %mul3A_241 : vector<16xf32>
      %add3A_243 = arith.addf %add3A_225, %convert_element_type3A_239 : vector<16xf32>
      %get3A_244 = arith.index_cast %scan3A_68 : i32 to index
      %get3A_245 = arith.constant 160 : index
      %get3A_246 = tpu.vector_load %arg5[%get3A_244, %get3A_245] {strides = array<i32>} : memref<32x256xf32, #tpu.memory_space<vmem>>, vector<16xf32>,
      %get3A_247 = arith.index_cast %scan3A_68 : i32 to index
      %get3A_248 = arith.constant 160 : index
      %get3A_249 = tpu.vector_load %arg6[%get3A_247, %get3A_248] {strides = array<i32>} : memref<32x256xi32, #tpu.memory_space<vmem>>, vector<16xi32>,
      %bitcast3A_250 = vector.bitcast %get3A_246 : vector<16xf32> to vector<16xi32>
      %shift_left3A_251 = arith.constant 31 : i32
      %shift_left3A_252 = vector.broadcast %shift_left3A_251 : i32 to vector<16xi32>
      %shift_left3A_253 = arith.shli %get3A_249, %shift_left3A_252 : vector<16xi32>
      %xor3A_254 = arith.xori %bitcast3A_250, %shift_left3A_253 : vector<16xi32>
      %bitcast3A_255 = vector.bitcast %xor3A_254 : vector<16xi32> to vector<16xf32>
      %exp3A_256 = math.exp %bitcast3A_255 : vector<16xf32>
      %convert_element_type3A_257 = arith.sitofp %get3A_249 : vector<16xi32> to vector<16xf32>
      %add3A_258 = arith.addf %add3A_240, %exp3A_256 : vector<16xf32>
      %mul3A_259 = arith.mulf %exp3A_256, %convert_element_type3A_257 : vector<16xf32>
      %add3A_260 = arith.addf %add3A_242, %mul3A_259 : vector<16xf32>
      %add3A_261 = arith.addf %add3A_243, %convert_element_type3A_257 : vector<16xf32>
      %get3A_262 = arith.index_cast %scan3A_68 : i32 to index
      %get3A_263 = arith.constant 176 : index
      %get3A_264 = tpu.vector_load %arg5[%get3A_262, %get3A_263] {strides = array<i32>} : memref<32x256xf32, #tpu.memory_space<vmem>>, vector<16xf32>,
      %get3A_265 = arith.index_cast %scan3A_68 : i32 to index
      %get3A_266 = arith.constant 176 : index
      %get3A_267 = tpu.vector_load %arg6[%get3A_265, %get3A_266] {strides = array<i32>} : memref<32x256xi32, #tpu.memory_space<vmem>>, vector<16xi32>,
      %bitcast3A_268 = vector.bitcast %get3A_264 : vector<16xf32> to vector<16xi32>
      %shift_left3A_269 = arith.constant 31 : i32
      %shift_left3A_270 = vector.broadcast %shift_left3A_269 : i32 to vector<16xi32>
      %shift_left3A_271 = arith.shli %get3A_267, %shift_left3A_270 : vector<16xi32>
      %xor3A_272 = arith.xori %bitcast3A_268, %shift_left3A_271 : vector<16xi32>
      %bitcast3A_273 = vector.bitcast %xor3A_272 : vector<16xi32> to vector<16xf32>
      %exp3A_274 = math.exp %bitcast3A_273 : vector<16xf32>
      %convert_element_type3A_275 = arith.sitofp %get3A_267 : vector<16xi32> to vector<16xf32>
      %add3A_276 = arith.addf %add3A_258, %exp3A_274 : vector<16xf32>
      %mul3A_277 = arith.mulf %exp3A_274, %convert_element_type3A_275 : vector<16xf32>
      %add3A_278 = arith.addf %add3A_260, %mul3A_277 : vector<16xf32>
      %add3A_279 = arith.addf %add3A_261, %convert_element_type3A_275 : vector<16xf32>
      %get3A_280 = arith.index_cast %scan3A_68 : i32 to index
      %get3A_281 = arith.constant 192 : index
      %get3A_282 = tpu.vector_load %arg5[%get3A_280, %get3A_281] {strides = array<i32>} : memref<32x256xf32, #tpu.memory_space<vmem>>, vector<16xf32>,
      %get3A_283 = arith.index_cast %scan3A_68 : i32 to index
      %get3A_284 = arith.constant 192 : index
      %get3A_285 = tpu.vector_load %arg6[%get3A_283, %get3A_284] {strides = array<i32>} : memref<32x256xi32, #tpu.memory_space<vmem>>, vector<16xi32>,
      %bitcast3A_286 = vector.bitcast %get3A_282 : vector<16xf32> to vector<16xi32>
      %shift_left3A_287 = arith.constant 31 : i32
      %shift_left3A_288 = vector.broadcast %shift_left3A_287 : i32 to vector<16xi32>
      %shift_left3A_289 = arith.shli %get3A_285, %shift_left3A_288 : vector<16xi32>
      %xor3A_290 = arith.xori %bitcast3A_286, %shift_left3A_289 : vector<16xi32>
      %bitcast3A_291 = vector.bitcast %xor3A_290 : vector<16xi32> to vector<16xf32>
      %exp3A_292 = math.exp %bitcast3A_291 : vector<16xf32>
      %convert_element_type3A_293 = arith.sitofp %get3A_285 : vector<16xi32> to vector<16xf32>
      %add3A_294 = arith.addf %add3A_276, %exp3A_292 : vector<16xf32>
      %mul3A_295 = arith.mulf %exp3A_292, %convert_element_type3A_293 : vector<16xf32>
      %add3A_296 = arith.addf %add3A_278, %mul3A_295 : vector<16xf32>
      %add3A_297 = arith.addf %add3A_279, %convert_element_type3A_293 : vector<16xf32>
      %get3A_298 = arith.index_cast %scan3A_68 : i32 to index
      %get3A_299 = arith.constant 208 : index
      %get3A_300 = tpu.vector_load %arg5[%get3A_298, %get3A_299] {strides = array<i32>} : memref<32x256xf32, #tpu.memory_space<vmem>>, vector<16xf32>,
      %get3A_301 = arith.index_cast %scan3A_68 : i32 to index
      %get3A_302 = arith.constant 208 : index
      %get3A_303 = tpu.vector_load %arg6[%get3A_301, %get3A_302] {strides = array<i32>} : memref<32x256xi32, #tpu.memory_space<vmem>>, vector<16xi32>,
      %bitcast3A_304 = vector.bitcast %get3A_300 : vector<16xf32> to vector<16xi32>
      %shift_left3A_305 = arith.constant 31 : i32
      %shift_left3A_306 = vector.broadcast %shift_left3A_305 : i32 to vector<16xi32>
      %shift_left3A_307 = arith.shli %get3A_303, %shift_left3A_306 : vector<16xi32>
      %xor3A_308 = arith.xori %bitcast3A_304, %shift_left3A_307 : vector<16xi32>
      %bitcast3A_309 = vector.bitcast %xor3A_308 : vector<16xi32> to vector<16xf32>
      %exp3A_310 = math.exp %bitcast3A_309 : vector<16xf32>
      %convert_element_type3A_311 = arith.sitofp %get3A_303 : vector<16xi32> to vector<16xf32>
      %add3A_312 = arith.addf %add3A_294, %exp3A_310 : vector<16xf32>
      %mul3A_313 = arith.mulf %exp3A_310, %convert_element_type3A_311 : vector<16xf32>
      %add3A_314 = arith.addf %add3A_296, %mul3A_313 : vector<16xf32>
      %add3A_315 = arith.addf %add3A_297, %convert_element_type3A_311 : vector<16xf32>
      %get3A_316 = arith.index_cast %scan3A_68 : i32 to index
      %get3A_317 = arith.constant 224 : index
      %get3A_318 = tpu.vector_load %arg5[%get3A_316, %get3A_317] {strides = array<i32>} : memref<32x256xf32, #tpu.memory_space<vmem>>, vector<16xf32>,
      %get3A_319 = arith.index_cast %scan3A_68 : i32 to index
      %get3A_320 = arith.constant 224 : index
      %get3A_321 = tpu.vector_load %arg6[%get3A_319, %get3A_320] {strides = array<i32>} : memref<32x256xi32, #tpu.memory_space<vmem>>, vector<16xi32>,
      %bitcast3A_322 = vector.bitcast %get3A_318 : vector<16xf32> to vector<16xi32>
      %shift_left3A_323 = arith.constant 31 : i32
      %shift_left3A_324 = vector.broadcast %shift_left3A_323 : i32 to vector<16xi32>
      %shift_left3A_325 = arith.shli %get3A_321, %shift_left3A_324 : vector<16xi32>
      %xor3A_326 = arith.xori %bitcast3A_322, %shift_left3A_325 : vector<16xi32>
      %bitcast3A_327 = vector.bitcast %xor3A_326 : vector<16xi32> to vector<16xf32>
      %exp3A_328 = math.exp %bitcast3A_327 : vector<16xf32>
      %convert_element_type3A_329 = arith.sitofp %get3A_321 : vector<16xi32> to vector<16xf32>
      %add3A_330 = arith.addf %add3A_312, %exp3A_328 : vector<16xf32>
      %mul3A_331 = arith.mulf %exp3A_328, %convert_element_type3A_329 : vector<16xf32>
      %add3A_332 = arith.addf %add3A_314, %mul3A_331 : vector<16xf32>
      %add3A_333 = arith.addf %add3A_315, %convert_element_type3A_329 : vector<16xf32>
      %get3A_334 = arith.index_cast %scan3A_68 : i32 to index
      %get3A_335 = arith.constant 240 : index
      %get3A_336 = tpu.vector_load %arg5[%get3A_334, %get3A_335] {strides = array<i32>} : memref<32x256xf32, #tpu.memory_space<vmem>>, vector<16xf32>,
      %get3A_337 = arith.index_cast %scan3A_68 : i32 to index
      %get3A_338 = arith.constant 240 : index
      %get3A_339 = tpu.vector_load %arg6[%get3A_337, %get3A_338] {strides = array<i32>} : memref<32x256xi32, #tpu.memory_space<vmem>>, vector<16xi32>,
      %bitcast3A_340 = vector.bitcast %get3A_336 : vector<16xf32> to vector<16xi32>
      %shift_left3A_341 = arith.constant 31 : i32
      %shift_left3A_342 = vector.broadcast %shift_left3A_341 : i32 to vector<16xi32>
      %shift_left3A_343 = arith.shli %get3A_339, %shift_left3A_342 : vector<16xi32>
      %xor3A_344 = arith.xori %bitcast3A_340, %shift_left3A_343 : vector<16xi32>
      %bitcast3A_345 = vector.bitcast %xor3A_344 : vector<16xi32> to vector<16xf32>
      %exp3A_346 = math.exp %bitcast3A_345 : vector<16xf32>
      %convert_element_type3A_347 = arith.sitofp %get3A_339 : vector<16xi32> to vector<16xf32>
      %add3A_348 = arith.addf %add3A_330, %exp3A_346 : vector<16xf32>
      %mul3A_349 = arith.mulf %exp3A_346, %convert_element_type3A_347 : vector<16xf32>
      %add3A_350 = arith.addf %add3A_332, %mul3A_349 : vector<16xf32>
      %add3A_351 = arith.addf %add3A_333, %convert_element_type3A_347 : vector<16xf32>
      %broadcast_in_dim3A_352 = arith.constant true
      %broadcast_in_dim3A_353 = vector.broadcast %broadcast_in_dim3A_352 : i1 to vector<16xi1>
      %masked_cumsum3A = tpu.scan <sum>, %add3A_348 masked %broadcast_in_dim3A_353 : vector<16xf32>, vector<16xi1> -> vector<16xf32>
      %broadcast_in_dim3A_354 = arith.constant true
      %broadcast_in_dim3A_355 = vector.broadcast %broadcast_in_dim3A_354 : i1 to vector<16xi1>
      %masked_cumsum3A_356 = tpu.scan <sum>, %add3A_350 masked %broadcast_in_dim3A_355 : vector<16xf32>, vector<16xi1> -> vector<16xf32>
      %broadcast_in_dim3A_357 = arith.constant true
      %broadcast_in_dim3A_358 = vector.broadcast %broadcast_in_dim3A_357 : i1 to vector<16xi1>
      %masked_cumsum3A_359 = tpu.scan <sum>, %add3A_351 masked %broadcast_in_dim3A_358 : vector<16xf32>, vector<16xi1> -> vector<16xf32>
      %sub3A = arith.subf %masked_cumsum3A, %masked_cumsum3A_356 : vector<16xf32>
      %mul3A_360 = arith.mulf %sub3A, %masked_cumsum3A_356 : vector<16xf32>
      %sub3A_361 = arith.subf %broadcast_in_dim3A_32, %masked_cumsum3A_359 : vector<16xf32>
      %mul3A_362 = arith.mulf %masked_cumsum3A_359, %sub3A_361 : vector<16xf32>
      %div3A = arith.divf %mul3A_360, %mul3A_362 : vector<16xf32>
      %select_n3A = arith.select %eq3A_30, %div3A, %broadcast_in_dim3A_28 : vector<16xi1>, vector<16xf32>
      %add3A_363 = arith.addf %scan3A_69, %select_n3A : vector<16xf32>
      scf.yield %add3A_363 : vector<16xf32>
    }
    %scan3A_64 = arith.constant 32 : i32
    %swap3A = arith.constant 0 : index
    %swap3A_65 = tpu.vector_load %arg7[%swap3A] {strides = array<i32>} : memref<16xf32, #tpu.memory_space<vmem>>, vector<16xf32>,
    tpu.vector_store %arg7[%swap3A], %scan3A_63 {strides = array<i32>} : memref<16xf32, #tpu.memory_space<vmem>>, vector<16xf32>,
    %mul3A_66 = arith.constant 16 : i32
    %mul3A_67 = arith.muli %add3A, %mul3A_66 : i32
    "tpu.region"() ({
      %run_scoped3A = tpu.sem_alloc : memref<!tpu.dma_semaphore, #tpu.memory_space<semaphore_mem>>
      %dma_start3A_68 = tpu.memref_slice %arg4[%mul3A_67] : memref<512xf32, #tpu.memory_space<hbm>> -> memref<16xf32, #tpu.memory_space<hbm>>
      %dma_start3A_69 = tpu.memref_slice %arg4[%mul3A_67] : memref<512xf32, #tpu.memory_space<hbm>> -> memref<16xf32, #tpu.memory_space<hbm>>
      tpu.enqueue_dma source(%arg7 : memref<16xf32, #tpu.memory_space<vmem>>) target(%dma_start3A_69 : memref<16xf32, #tpu.memory_space<hbm>>) target_semaphore(%run_scoped3A : memref<!tpu.dma_semaphore, #tpu.memory_space<semaphore_mem>>)
      %dma_wait3A_70 = tpu.memref_slice %arg4[%mul3A_67] : memref<512xf32, #tpu.memory_space<hbm>> -> memref<16xf32, #tpu.memory_space<hbm>>
      %dma_wait3A_71 = tpu.memref_slice %arg4[%mul3A_67] : memref<512xf32, #tpu.memory_space<hbm>> -> memref<16xf32, #tpu.memory_space<hbm>>
      tpu.wait_dma2 semaphore(%run_scoped3A : memref<!tpu.dma_semaphore, #tpu.memory_space<semaphore_mem>>) src(%arg7 : memref<16xf32, #tpu.memory_space<vmem>>) dst(%dma_wait3A_71 : memref<16xf32, #tpu.memory_space<hbm>>)
      tpu.yield
    }) : () -> ()
    return
  }
}

</mosaic_0001>

<sc_bundles>
// kernel: kernel.3.cloned.1.call-start
scs
__scs_entry_jumppad:
0x0: {  	(pc) =	sbr.rel $0x88, $3  }
0x1: {  	(tag) =	ssettag $0x0;
	lr =	simm.s32 $0x1  }
0x2: {  	[smem:$0x3F9F] =	sst lr;
	_ =	strace $0xD0000000  }
0x3: {  	_ = 	snop  }
0x4: {  	_ = 	snop  }
0x5: {  	_ = 	snop  }
0x6: {  	_ = 	snop  }
0x7: {  	_ = 	snop  }
__scs_overlays_trampoline_lowered:
0x8: {  	[smem:$0x3FAE] =	sst s0  }
0x9: {  	[smem:$0x3FAF] =	sst s1  }
0xa: {  	[smem:$0x3FB0] =	sst s2  }
0xb: {  	[smem:$0x3FB1] =	sst s3  }
0xc: {  	[smem:$0x3FB2] =	sst s4  }
0xd: {  	[smem:$0x3FB3] =	sst s5  }
0xe: {  	[smem:$0x3FB4] =	sst s6  }
0xf: {  	[smem:$0x3FB5] =	sst s7  }
0x10: {  	[smem:$0x3FB6] =	sst s8  }
0x11: {  	[smem:$0x3FB7] =	sst s9;
	s0 =	simm.s32 @!p0 $0x0  }
0x12: {  	s1 =	sld [smem:$0x3F9D];
	s0 =	simm.s32 @p0 $0x1  }
0x13: {  	[smem:$0x3FB8] =	sst s0;
	s0 =	simm.s32 @!p1 $0x0  }
0x14: {  	s2 =	sld [smem:$0x3F9C];
	s0 =	simm.s32 @p1 $0x1  }
0x15: {  	[smem:$0x3FB9] =	sst s0;
	s0 =	simm.s32 @!p2 $0x0  }
0x16: {  	s3 =	sld [smem:$0x3FDB];
	s0 =	simm.s32 @p2 $0x1  }
0x17: {  	s4 =	simm.s32 $0x1BF5;
	[smem:$0x3FBB] =	sst s0  }
0x18: {  	s0 =	sld [smem:$0x3F9E];
	_ =	swait.ge [sflag:s4], $0x0  }
0x19: {  	s7 =	sld [smem:$0x3F9F]  }
0x1a: {  	s8 =	sadd.s32 $0xFFFFE003, lr  }
0x1b: {  	s9 =	sadd.s32 $0xFFFFFEF7, lr;
	s5 =	simm.s32 $0xFFFFFFFF;
	p2 =	slt.u32 s8, $0xFFFFF086  }
0x1c: {  	p1 =	slt.u32 s9, $0xF7A;
	s5 =	simm.s32 @!p2 $0x0  }
0x1d: {  	s5 =	simm.s32 @p1 $0x1;
	p0 =	seq.s32 s7, s2  }
0x1e: {  	s7 =	smul.u32 @!p0 $0xF7A, s2;
	p2 =	seq.s32 @!p0 s5, $0x0  }
0x1f: {  	s9 =	smul.u32 $0xF7A, s1;
	s8 =	simm.s32 @!p0 $0x1BF5;
	p2 =	por !p2, p0  }
0x20: {  	[sflag:s8] =	ssyncset.s32 @!p0 $0xFFFFF086;
	s6 =	sadd.s32 @!p0 s3, s7;
	s7 =	simm.s32 @!p0 $0x108  }
0x21: {  	s3 =	sadd.s32 s3, s9;
	s6 =	sadd.s32 @!p0 $0x88, s6;
	s7 =	simm.s32 @p2 $0x1082  }
0x22: {  	[simem:s7], [sflag:s8] =	dma.local @!p0 [hbm:s6], $0xF7A  }
0x23: {  	s9 =	sor.u32 $0xD0000000, s2;
	s6 =	simm.s32 $0x108;
	_ =	swait.ge @!p0 [sflag:s8], $0x0  }
0x24: {  	s3 =	sadd.s32 $0x88, s3;
	s6 =	simm.s32 @!p1 $0x1082;
	[sflag:s4] =	ssyncset.s32 $0xFFFFF086  }
0x25: {  	[simem:s6], [sflag:s4] =	dma.local [hbm:s3], $0xF7A  }
0x26: {  	[smem:$0x3F9F] =	sst s1;
	(tag) =	ssettag s2;
	_ =	strace s9  }
0x27: {  	s1 =	sld [smem:$0x3FAF]  }
0x28: {  	s2 =	sld [smem:$0x3FB0]  }
0x29: {  	s4 =	sld [smem:$0x3FB2]  }
0x2a: {  	p0 =	seq.s32 s5, $0x0;
	s5 =	sld [smem:$0x3FB3]  }
0x2b: {  	s6 =	sld [smem:$0x3FB4]  }
0x2c: {  	s7 =	sld [smem:$0x3FB5]  }
0x2d: {  	s3 =	simm.s32 $0x108;
	s8 =	sld [smem:$0x3FB6]  }
0x2e: {  	s3 =	simm.s32 @!p0 $0x1082;
	s9 =	sld [smem:$0x3FB7]  }
0x2f: {  	lr =	sadd.s32 s0, s3;
	s0 =	sld [smem:$0x3FAE]  }
0x30: {  	s3 =	sld [smem:$0x3FB1]  }
0x31: {  	[smem:$0x3FBA] =	sst s10  }
0x32: {  	s10 =	sld [smem:$0x3FB8];
	_ =	sdelay $0x3  }
0x33: {  	p0 =	seq.s32 s10, $0x1;
	s10 =	sld [smem:$0x3FBA];
	_ =	sdelay $0x3  }
0x34: {  	[smem:$0x3FBA] =	sst s10  }
0x35: {  	s10 =	sld [smem:$0x3FB9];
	_ =	sdelay $0x3  }
0x36: {  	p1 =	seq.s32 s10, $0x1;
	s10 =	sld [smem:$0x3FBA];
	_ =	sdelay $0x3  }
0x37: {  	[smem:$0x3FBA] =	sst s10  }
0x38: {  	s10 =	sld [smem:$0x3FBB]  }
0x39: {  	_ = 	snop;
	(pc) =	sbr.ind lr, $3  }
0x3a: {  	_ = 	snop  }
0x3b: {  	_ = 	snop  }
0x3c: {  	p2 =	seq.s32 s10, $0x1;
	s10 =	sld [smem:$0x3FBA]  }
0x3d: {  	_ =	shalt  }
0x3e: {  	_ =	shalt  }
0x3f: {  	_ =	shalt  }
0x40: {  	_ =	shalt  }
0x41: {  	_ =	shalt  }
0x42: {  	_ =	shalt  }
0x43: {  	_ =	shalt  }
0x44: {  	_ =	shalt  }
0x45: {  	_ =	shalt  }
0x46: {  	_ =	shalt  }
0x47: {  	_ =	shalt  }
0x48: {  	_ =	shalt  }
0x49: {  	_ =	shalt  }
0x4a: {  	_ =	shalt  }
0x4b: {  	_ =	shalt  }
0x4c: {  	_ =	shalt  }
0x4d: {  	_ =	shalt  }
0x4e: {  	_ =	shalt  }
0x4f: {  	_ =	shalt  }
0x50: {  	_ =	shalt  }
0x51: {  	_ =	shalt  }
0x52: {  	_ =	shalt  }
0x53: {  	_ =	shalt  }
0x54: {  	_ =	shalt  }
0x55: {  	_ =	shalt  }
0x56: {  	_ =	shalt  }
0x57: {  	_ =	shalt  }
0x58: {  	_ =	shalt  }
0x59: {  	_ =	shalt  }
0x5a: {  	_ =	shalt  }
0x5b: {  	_ =	shalt  }
0x5c: {  	_ =	shalt  }
0x5d: {  	_ =	shalt  }
0x5e: {  	_ =	shalt  }
0x5f: {  	_ =	shalt  }
0x60: {  	_ =	shalt  }
0x61: {  	_ =	shalt  }
0x62: {  	_ =	shalt  }
0x63: {  	_ =	shalt  }
0x64: {  	_ =	shalt  }
0x65: {  	_ =	shalt  }
0x66: {  	_ =	shalt  }
0x67: {  	_ =	shalt  }
0x68: {  	_ =	shalt  }
0x69: {  	_ =	shalt  }
0x6a: {  	_ =	shalt  }
0x6b: {  	_ =	shalt  }
0x6c: {  	_ =	shalt  }
0x6d: {  	_ =	shalt  }
0x6e: {  	_ =	shalt  }
0x6f: {  	_ =	shalt  }
0x70: {  	_ =	shalt  }
0x71: {  	_ =	shalt  }
0x72: {  	_ =	shalt  }
0x73: {  	_ =	shalt  }
0x74: {  	_ =	shalt  }
0x75: {  	_ =	shalt  }
0x76: {  	_ =	shalt  }
0x77: {  	_ =	shalt  }
0x78: {  	_ =	shalt  }
0x79: {  	_ =	shalt  }
0x7a: {  	_ =	shalt  }
0x7b: {  	_ =	shalt  }
0x7c: {  	_ =	shalt  }
0x7d: {  	_ =	shalt  }
0x7e: {  	_ =	shalt  }
0x7f: {  	_ =	shalt  }
0x80: {  	_ =	shalt  }
0x81: {  	_ =	shalt  }
0x82: {  	_ =	shalt  }
0x83: {  	_ =	shalt  }
0x84: {  	_ =	shalt  }
0x85: {  	_ =	shalt  }
0x86: {  	_ =	shalt  }
0x87: {  	_ =	shalt  }
.Lfunc_end0:
.L_simem_size_0:
called_computation_lowered:
.L_overlay_start_0:
0x88: {  	s2 =	sld [smem:$0x3FD9]  }
0x89: {  	s3 =	sld [smem:$0x3FFE];
	_ =	sdelay $0x1  }
0x8a: {  	s1 =	srdreg.scid  }
0x8b: {  	s0 =	sand.u32 $0x1, s1  }
0x8c: {  	s17 =	sshll.u32 s0, $0xA;
	s2 =	sadd.s32 s3, s2  }
0x8d: {  	s2 =	sadd.s32 s2, s17  }
0x8e: {  	[smem:$0x3FC6] =	sst s2  }
0x8f: {  	_ = 	snop  }
0x90: {  	s2 =	sld [smem:$0x3FC9]  }
0x91: {  	s18 =	sld [smem:$0x3FC8];
	(tm) =	ssettm $0x1  }
0x92: {  	s4 =	sld [smem:$0x3FFB];
	_ =	sdelay $0x3  }
0x93: {  	_ =	strace s4  }
0x94: {  	s4 =	sld [smem:$0x3FFC];
	_ =	sdelay $0x3  }
0x95: {  	_ =	strace s4  }
0x96: {  	s4 =	sld [smem:$0x3FFD];
	_ =	sdelay $0x3  }
0x97: {  	_ =	strace s4  }
0x98: {  	_ =	strace $0x8FFFFFFF  }
0x99: {  	s19 =	sld [smem:$0x3FDB];
	_ =	sdelay $0x1  }
0x9a: {  	s5 =	simm.s32 $_scs_section_size  }
0x9b: {  	s6 =	simm.s32 $_size__tile_overlayer_lowered;
	s7 =	simm.s32 $_tile_overlayer_lowered  }
0x9c: {  	s22 =	simm.s32 $0x1BFF;
	s21 =	sshll.u32 s7, $0x1;
	s4 =	sadd.s32 s5, s19  }
0x9d: {  	s8 =	simm.s32 $0x0;
	s20 =	sshll.u32 s6, $0x1;
	s6 =	sadd.s32 s21, s4  }
0x9e: {  	[timem:s8], [sflag:s22] =	dma.local [hbm:s6], s20  }
0x9f: {  	_ =	swait.ge [sflag:s22], s20  }
0xa0: {  	s5 =	ssub.s32 $0x0, s20;
	[sflag:s22] =	ssyncset.done $0x0  }
0xa1: {  	[sflag:s22] =	ssyncadd.s32 s5;
	_ =	sdelay $0x1  }
0xa2: {  	s23 =	simm.s32 $0x1B8B  }
0xa3: {  	_ =	swait.ge [sflag:s23], $0x1  }
0xa4: {  	[sflag:s23] =	ssyncset.done $0x0  }
0xa5: {  	s25 =	simm.s32 $0x1B8E;
	s24 =	sld [smem:$0x3FFE];
	[sflag:s23] =	ssyncadd.s32 $0xFFFFFFFF  }
0xa6: {  	s26 =	simm.s32 $execute0_lowered;
	[smem:$0x3FD2] =	sst s25  }
0xa7: {  	s6 =	sshll.u32 s26, $0x1;
	_ =	strace $0x80000046;
	[dreg:$0x1] =	wrdreg $0xFFFFFFFF  }
0xa8: {  	s28 =	simm.s32 $_size_execute0_lowered;
	s4 =	sadd.s32 s4, s6;
	[dreg:$0x0] =	wrdreg $0x0  }
0xa9: {  	s6 =	sshll.u32 s28, $0x1;
	[dreg:$0x2] =	wrdreg s4  }
0xaa: {  	[dreg:$0x3] =	wrdreg s6  }
0xab: {  	[dreg:$0x4] =	wrdreg $0xC0  }
0xac: {  	_ =	task [dreg:s8], $0x5FFFF  }
0xad: {  	[dreg:$0x1] =	wrdreg $0xFFFFFFFF  }
0xae: {  	[dreg:$0x0] =	wrdreg $0x60  }
0xaf: {  	[dreg:$0x2] =	wrdreg s2  }
0xb0: {  	[dreg:$0x3] =	wrdreg s18  }
0xb1: {  	[dreg:$0x4] =	wrdreg s24  }
0xb2: {  	[dreg:$0x5] =	wrdreg $0x9  }
0xb3: {  	_ =	task.clear_ibuf [dreg:s8], $0x6FFFF;
	_ =	strace $0x90000046  }
0xb4: {  	s29 =	simm.s32 $0x9;
	_ =	strace $0x80000048  }
0xb5: {  	_ =	swait.ge [sflag:s29], $0x1  }
0xb6: {  	[sflag:s29] =	ssyncadd.s32 $0xFFFFFFFF  }
0xb7: {  	_ =	strace $0x90000048  }
0xb8: {  	_ =	sfence  }
0xb9: {  	s30 =	sld [smem:$0x0];
	_ =	sdelay $0x2  }
0xba: {  	s31 =	sshll.u32 s1, $0xD;
	s1 =	sshrl.u32 s1, $0x2  }
0xbb: {  	s3 =	sand.u32 $0x4000, s31;
	s1 =	sadd.s32 s1, s30  }
0xbc: {  	s0 =	sor.u32 s3, s0;
	s1 =	sshll.u32 s1, $0x11  }
0xbd: {  	s0 =	sor.u32 s1, s0  }
0xbe: {  	s0 =	sadd.s32 $0x8F2B, s0  }
0xbf: {  	[sflag:s0] =	ssyncadd.remote.s32 $0x1  }
0xc0: {  	_ =	sfence.sel $0xFFFF  }
0xc1: {  	[dreg:$0x0] =	wrdreg $0xFFFFFFFF;
	(pc) =	sbr.abs _section_cstart, $3  }
0xc2: {  	[dreg:$0x1] =	wrdreg $0xFFFFFFFF  }
0xc3: {  	_ =	task.clear_ibuf [dreg:s8], $0x2FFFF;
	_ =	strace $0x9FFFFFFF  }
0xc4: {  	(tm) =	ssettm $0x7FFFFFFF  }
0xc5: {  	_ =	shalt  }
tec
execute0_lowered:
.L_overlay_start_1:
0x0: {  	(tag) =	ssettag $0x1  }
0x1: {  	s3 =	rddreg [dreg:$0x0]  }
0x2: {  	s4 =	rddreg [dreg:$0x1]  }
0x3: {  	s5 =	rddreg [dreg:$0x2]  }
0x4: {  	s0 =	rddreg [dreg:$0x3]  }
0x5: {  	s6 =	srdreg.scid;
	s1 =	stileid.u32  }
0x6: {  	s2 =	simm.s32 $0x0;
	s10 =	simm.s32 $0x4000;
	s11 =	simm.s32 $0x3  }
0x7: {  	s12 =	simm.s32 $0x0;
	s6 =	sand.u32 $0x1, s6;
	s7 =	sshll.u32 s1, $0x1  }
0x8: {  	[smem:$0x7FF] =	sst s2;
	s8 =	ssub.s32 $0x2, s6;
	s6 =	sor.u32 s6, s7  }
0x9: {  	_ =	strace $0x80000047;
	s31 =	sshrl.u32 s8, $0x1;
	s9 =	sshll.u32 s6, $0xA  }
0xa: {  	s6 =	sshll.u32 s6, $0x1;
	s7 =	ssub.s32 s8, s31;
	s3 =	sadd.s32 s3, s9  }
0xb: {  	s4 =	sadd.s32 s4, s9;
	s5 =	sadd.s32 s5, s6;
	s8 =	simm.s32 $0x1  }
0xc: {  	vm0 =	vmmov $0x7fff;
	s9 =	simm.s32 $0x2;
	s6 =	smax.u32 s7, $0x1;
	s7 =	simm.s32 $0x2000  }
.LBB2_1:
0xd: {  	[tilespmem:s2], [sflag:$0x1] =	stream.linear.gather [hbm4b:s3+s2], $0x2000, $0x38;
	[tilespmem:$0x4080] =	vst v63  }
0xe: {  	_ = 	snop  }
0xf: {  	[tilespmem:s7], [sflag:$0x2] =	stream.linear.gather [hbm4b:s4+s2], $0x2000, $0x38;
	[tilespmem:$0x4080] =	vst v63  }
0x10: {  	_ =	swait.ge [sflag:s8], $0x2000  }
0x11: {  	[sflag:s8] =	ssyncset.done $0x0  }
0x12: {  	[sflag:s8] =	ssyncadd.s32 $0xFFFFE000  }
0x13: {  	_ =	swait.ge [sflag:s9], $0x2000  }
0x14: {  	s13 =	sand.u32 $0x1800, s2;
	s14 =	sand.u32 $0x380, s2;
	[sflag:s9] =	ssyncset.done $0x0  }
0x15: {  	s13 =	sor.u32 s14, s13;
	[sflag:s9] =	ssyncadd.s32 $0xFFFFE000  }
0x16: {  	v1 =	vld [tilespmem:s13+$0x470]  }
0x17: {  	v0 =	vld [tilespmem:s13+$0x2470]  }
0x18: {  	v2 =	vld [tilespmem:s13+$0x2460]  }
0x19: {  	v5 =	vld [tilespmem:s13+$0x2450]  }
0x1a: {  	v8 =	vld [tilespmem:s13+$0x2440]  }
0x1b: {  	v11 =	vld [tilespmem:s13+$0x2430]  }
0x1c: {  	v12 =	vld [tilespmem:s13+$0x2420]  }
0x1d: {  	v13 =	vld [tilespmem:s13+$0x2410]  }
0x1e: {  	v14 =	vld [tilespmem:s13+$0x2400]  }
0x1f: {  	v15 =	vld [tilespmem:s13+$0x2070]  }
0x20: {  	v16 =	vld [tilespmem:s13+$0x2060]  }
0x21: {  	v17 =	vld [tilespmem:s13+$0x2050]  }
0x22: {  	v18 =	vld [tilespmem:s13+$0x2040]  }
0x23: {  	v23 =	vld [tilespmem:s13+$0x2000];
	v6 =	vcvt.s32.f32 v5  }
0x24: {  	v26 =	vld [tilespmem:s13+$0x0];
	v7 =	vcvt.s32.f32 v2;
	v20 =	vshll.u32 v0, $0x1F;
	v4 =	vcvt.s32.f32 v8  }
0x25: {  	v27 =	vld [tilespmem:s13+$0x2010];
	v22 =	vshll.u32 v2, $0x1F;
	v2 =	vcvt.s32.f32 v11;
	v3 =	vcvt.s32.f32 v12  }
0x26: {  	v29 =	vld [tilespmem:s13+$0x10];
	v24 =	vshll.u32 v5, $0x1F;
	v25 =	vshll.u32 v8, $0x1F;
	v5 =	vcvt.s32.f32 v13  }
0x27: {  	v19 =	vld [tilespmem:s13+$0x2030];
	v11 =	vshll.u32 v11, $0x1F;
	v8 =	vcvt.s32.f32 v14;
	v28 =	vcvt.s32.f32 v15  }
0x28: {  	v21 =	vld [tilespmem:s13+$0x2020];
	v13 =	vshll.u32 v13, $0x1F;
	v12 =	vshll.u32 v12, $0x1F;
	v31 =	vcvt.s32.f32 v16  }
0x29: {  	v35 =	vld [tilespmem:s13+$0x20];
	v14 =	vshll.u32 v14, $0x1F;
	v32 =	vcvt.s32.f32 v18;
	v34 =	vshll.u32 v23, $0x1F  }
0x2a: {  	v10 =	vld [tilespmem:s13+$0x450];
	v33 =	vcvt.s32.f32 v17;
	v60 =	vshll.u32 v27, $0x1F;
	v26 =	vxor.u32 v26, v34  }
0x2b: {  	v38 =	vld [tilespmem:s13+$0x30];
	v15 =	vshll.u32 v15, $0x1F;
	v29 =	vxor.u32 v29, v60;
	v26 =	vmul.f32 $1.442695020e+00, v26  }
0x2c: {  	v61 =	vld [tilespmem:s13+$0x40];
	v37 =	vcvt.s32.f32 v19;
	v17 =	vshll.u32 v17, $0x1F;
	v29 =	vmul.f32 $1.442695020e+00, v29  }
0x2d: {  	v62 =	vld [tilespmem:s13+$0x50];
	v39 =	vcvt.s32.f32 v21;
	v21 =	vshll.u32 v21, $0x1F;
	(erf) = vpow2.f32 v26  }
0x2e: {  	v21 =	vxor.u32 v35, v21;
	v26 =	vcvt.s32.f32 v27;
	v27 =	vld [tilespmem:s13+$0x410];
	(erf) = vpow2.f32 v29  }
0x2f: {  	v9 =	vld [tilespmem:s13+$0x460];
	v18 =	vshll.u32 v18, $0x1F;
	v19 =	vshll.u32 v19, $0x1F;
	v21 =	vmul.f32 $1.442695020e+00, v21  }
0x30: {  	v23 =	vcvt.s32.f32 v23;
	v20 =	vxor.u32 v1, v20;
	v1 =	vxor.u32 v38, v19;
	v19 =	vld [tilespmem:s13+$0x60]  }
0x31: {  	v18 =	vxor.u32 v61, v18;
	v1 =	vmul.f32 $1.442695020e+00, v1;
	(erf) = vpow2.f32 v21  }
0x32: {  	v18 =	vmul.f32 $1.442695020e+00, v18;
	v21 =	vxor.u32 v10, v24;
	v10 =	vadd.f32 v26, v23;
	v24 =	vld [tilespmem:s13+$0x70]  }
0x33: {  	(erf) = vpow2.f32 v1;
	v1 =	vxor.u32 v27, v13;
	v13 =	vxor.u32 v62, v17  }
0x34: {  	v16 =	vshll.u32 v16, $0x1F;
	v29 =	vld [tilespmem:s13+$0x400];
	v10 =	vadd.f32 v39, v10;
	v13 =	vmul.f32 $1.442695020e+00, v13  }
0x35: {  	v22 =	vxor.u32 v9, v22;
	v16 =	vxor.u32 v19, v16;
	(erf) = vpow2.f32 v18  }
0x36: {  	v16 =	vmul.f32 $1.442695020e+00, v16;
	v10 =	vadd.f32 v37, v10;
	v17 =	vpop (erf);
	(erf) = vpow2.f32 v13  }
0x37: {  	v36 =	vld [tilespmem:s13+$0x430];
	v13 =	vxor.u32 v24, v15;
	v18 =	vadd.f32 $0.0e+00, v17;
	v15 =	vmul.f32 v23, v17;
	v17 =	vpop (erf)  }
0x38: {  	v10 =	vadd.f32 v32, v10;
	(erf) = vpow2.f32 v16;
	v16 =	vmul.f32 v26, v17  }
0x39: {  	v40 =	vld [tilespmem:s13+$0x420];
	v14 =	vxor.u32 v29, v14;
	v13 =	vmul.f32 $1.442695020e+00, v13;
	v15 =	vadd.f32 $0.0e+00, v15  }
0x3a: {  	v14 =	vmul.f32 $1.442695020e+00, v14;
	v10 =	vadd.f32 v33, v10;
	v18 =	vadd.f32 v17, v18;
	v17 =	vpop (erf)  }
0x3b: {  	(erf) = vpow2.f32 v13;
	v13 =	vadd.f32 v16, v15;
	v15 =	vmul.f32 v39, v17  }
0x3c: {  	v11 =	vxor.u32 v36, v11;
	v1 =	vmul.f32 $1.442695020e+00, v1;
	v18 =	vadd.f32 v17, v18;
	v16 =	vpop (erf)  }
0x3d: {  	v10 =	vadd.f32 v31, v10;
	(erf) = vpow2.f32 v14;
	v14 =	vmul.f32 v37, v16  }
0x3e: {  	v30 =	vld [tilespmem:s13+$0x440];
	v12 =	vxor.u32 v40, v12;
	v17 =	vadd.f32 v16, v18;
	v13 =	vadd.f32 v15, v13  }
0x3f: {  	v12 =	vmul.f32 $1.442695020e+00, v12;
	v10 =	vadd.f32 v28, v10;
	v15 =	vpop (erf);
	(erf) = vpow2.f32 v1  }
0x40: {  	v1 =	vadd.f32 v14, v13;
	v16 =	vadd.f32 v15, v17;
	v13 =	vmul.f32 v32, v15  }
0x41: {  	v11 =	vmul.f32 $1.442695020e+00, v11;
	v10 =	vadd.f32 v8, v10;
	v14 =	vpop (erf);
	(erf) = vpow2.f32 v12  }
0x42: {  	v15 =	vadd.f32 v14, v16;
	v1 =	vadd.f32 v13, v1;
	v12 =	vmul.f32 v33, v14  }
0x43: {  	v9 =	vxor.u32 v30, v25;
	v13 =	vadd.f32 v5, v10;
	v14 =	vpop (erf);
	(erf) = vpow2.f32 v11  }
0x44: {  	s31 =	simm.s32 $0x100;
	s13 =	simm.s32 $0x80;
	v15 =	vadd.f32 v14, v15;
	v11 =	vadd.f32 v12, v1;
	v12 =	vmul.f32 v31, v14  }
0x45: {  	s14 =	sand.u32 $0x1800, s31;
	v9 =	vmul.f32 $1.442695020e+00, v9;
	s15 =	sand.u32 $0x380, s13;
	v16 =	vmul.f32 $1.442695020e+00, v21;
	v13 =	vadd.f32 v3, v13;
	v14 =	vpop (erf)  }
0x46: {  	s14 =	sor.u32 s15, s14;
	v15 =	vadd.f32 v14, v15;
	v12 =	vadd.f32 v12, v11;
	v14 =	vmul.f32 v28, v14  }
0x47: {  	v19 =	vmul.f32 $1.442695020e+00, v22;
	v22 =	vld [tilespmem:s14+$0x2420];
	v13 =	vadd.f32 v2, v13  }
0x48: {  	v25 =	vld [tilespmem:s14+$0x2410];
	(erf) = vpow2.f32 v9;
	v17 =	vpop (erf);
	v14 =	vadd.f32 v14, v12  }
0x49: {  	v27 =	vld [tilespmem:s14+$0x2070];
	v15 =	vadd.f32 v17, v15;
	v13 =	vadd.f32 v4, v13  }
0x4a: {  	v30 =	vld [tilespmem:s14+$0x2050];
	(erf) = vpow2.f32 v16;
	v8 =	vmul.f32 v8, v17;
	v16 =	vpop (erf)  }
0x4b: {  	v29 =	vld [tilespmem:s14+$0x2040];
	v15 =	vadd.f32 v16, v15;
	v13 =	vadd.f32 v6, v13  }
0x4c: {  	v18 =	vld [tilespmem:s14+$0x2460];
	v17 =	vmul.f32 $1.442695020e+00, v20;
	(erf) = vpow2.f32 v19;
	v8 =	vadd.f32 v8, v14;
	v14 =	vpop (erf)  }
0x4d: {  	v1 =	vld [tilespmem:s14+$0x2470];
	v5 =	vmul.f32 v5, v16;
	v15 =	vadd.f32 v14, v15  }
0x4e: {  	v63 =	vcvt.s32.f32 v0;
	v21 =	vld [tilespmem:s14+$0x2450];
	(erf) = vpow2.f32 v17  }
0x4f: {  	v26 =	vld [tilespmem:s14+$0x2400];
	v5 =	vadd.f32 v5, v8;
	v8 =	vadd.f32 v7, v13;
	v3 =	vmul.f32 v3, v14;
	v13 =	vpop (erf)  }
0x50: {  	v0 =	vimm.f32 $0.0e+00;
	v16 =	vld [tilespmem:s14+$0x2440];
	v14 =	vadd.f32 v13, v15  }
0x51: {  	v20 =	vld [tilespmem:s14+$0x2430];
	v8 =	vadd.f32 v63, v8;
	v5 =	vadd.f32 v3, v5;
	v13 =	vmul.f32 v2, v13;
	v15 =	vpop (erf)  }
0x52: {  	v24 =	vld [tilespmem:s14+$0x2060];
	v19 =	vshll.u32 v1, $0x1F;
	v17 =	vshll.u32 v18, $0x1F;
	v14 =	vadd.f32 v15, v14  }
0x53: {  	v10 =	vld [tilespmem:s14+$0x470];
	v3 =	vcvt.s32.f32 v21;
	(xrf2) =	vadd.scan.msk.f32 $0xffff, v8;
	v13 =	vadd.f32 v13, v5;
	v15 =	vmul.f32 v4, v15;
	v23 =	vpop (erf)  }
0x54: {  	v9 =	vld [tilespmem:s14+$0x460];
	v2 =	vcvt.s32.f32 v18;
	v18 =	vshll.u32 v21, $0x1F;
	v14 =	vadd.f32 v23, v14  }
0x55: {  	v31 =	vld [tilespmem:s14+$0x2010];
	v21 =	vshll.u32 v16, $0x1F;
	v28 =	vpop (erf);
	v13 =	vadd.f32 v15, v13;
	v15 =	vmul.f32 v6, v23  }
0x56: {  	v11 =	vld [tilespmem:s14+$0x450];
	v8 =	vcvt.s32.f32 v26;
	v5 =	vcvt.s32.f32 v20;
	v14 =	vadd.f32 v28, v14  }
0x57: {  	v12 =	vld [tilespmem:s14+$0x440];
	v4 =	vcvt.s32.f32 v16;
	v16 =	vpop (erf);
	v13 =	vadd.f32 v15, v13;
	v15 =	vmul.f32 v7, v28  }
0x58: {  	v20 =	vshll.u32 v20, $0x1F;
	v6 =	vcvt.s32.f32 v22;
	v23 =	vld [tilespmem:s14+$0x2030];
	v14 =	vadd.f32 v16, v14  }
0x59: {  	s15 =	simm.s32 $0x200;
	v28 =	vld [tilespmem:s14+$0x2020];
	v7 =	vcvt.s32.f32 v25;
	v15 =	vadd.f32 v15, v13;
	v16 =	vmul.f32 v63, v16  }
.LBB2_2:
0x5a: {  	p0 =	sne.s32 s15, $0x1F00;
	v32 =	vld [tilespmem:s14+$0x2000];
	v13 =	vcvt.s32.f32 v27;
	v25 =	vshll.u32 v25, $0x1F;
	v22 =	vshll.u32 v22, $0x1F;
	(xrf2) =	vadd.scan.msk.f32 $0xffff, v14  }
0x5b: {  	v14 =	vcvt.s32.f32 v24;
	v26 =	vshll.u32 v26, $0x1F;
	v33 =	vld [tilespmem:s14+$0x0];
	v38 =	vadd.f32 v16, v15  }
0x5c: {  	v27 =	vshll.u32 v27, $0x1F;
	v34 =	vcvt.s32.f32 v29;
	v16 =	vcvt.s32.f32 v30;
	v35 =	vld [tilespmem:s14+$0x430]  }
0x5d: {  	v24 =	vshll.u32 v24, $0x1F;
	v30 =	vshll.u32 v30, $0x1F;
	v37 =	vcvt.s32.f32 v23;
	v36 =	vld [tilespmem:s14+$0x10];
	(xrf2) =	vadd.scan.msk.f32 $0xffff, v38;
	v15, _, _ =	vpop (xrf2)  }
0x5e: {  	v29 =	vshll.u32 v29, $0x1F;
	v38 =	vcvt.s32.f32 v28;
	v39 =	vld [tilespmem:s14+$0x420];
	v40 =	vsub.f32 $2.560000000e+02, v15  }
0x5f: {  	v42 =	vcvt.s32.f32 v31;
	v41 =	vshll.u32 v32, $0x1F;
	v32 =	vcvt.s32.f32 v32;
	v43 =	vld [tilespmem:s14+$0x20]  }
0x60: {  	v23 =	vshll.u32 v23, $0x1F;
	v33 =	vxor.u32 v33, v41;
	v41 =	vld [tilespmem:s14+$0x410];
	v40 =	vmul.f32 v40, v15  }
0x61: {  	v28 =	vshll.u32 v28, $0x1F;
	v15 =	vshll.u32 v31, $0x1F;
	v33 =	vmul.f32 $1.442695020e+00, v33;
	v31 =	vld [tilespmem:s14+$0x30]  }
0x62: {  	v36 =	vxor.u32 v36, v15;
	v44 =	vld [tilespmem:s14+$0x400];
	v15 =	vxor.u32 v10, v19;
	(erf) = vrcp.f32 v40  }
0x63: {  	v17 =	vxor.u32 v9, v17;
	v10 =	vmul.f32 $1.442695020e+00, v36;
	v19 =	vld [tilespmem:s14+$0x40];
	(erf) = vpow2.f32 v33  }
0x64: {  	v12 =	vxor.u32 v12, v21;
	v11 =	vxor.u32 v11, v18;
	v9 =	vxor.u32 v43, v28;
	v28 =	vld [tilespmem:s14+$0x70];
	v18, _, _ =	vpop (xrf2)  }
0x65: {  	v20 =	vxor.u32 v35, v20;
	v33 =	vmul.f32 $1.442695020e+00, v9;
	v21 =	vld [tilespmem:s14+$0x50];
	(erf) = vpow2.f32 v10  }
0x66: {  	v22 =	vxor.u32 v39, v22;
	v25 =	vxor.u32 v41, v25;
	v10 =	vxor.u32 v31, v23;
	v23 =	vld [tilespmem:s14+$0x60]  }
0x67: {  	v10 =	vmul.f32 $1.442695020e+00, v10;
	v26 =	vxor.u32 v44, v26;
	(erf) = vpow2.f32 v33;
	v9, _, _ =	vpop (xrf2)  }
0x68: {  	v31 =	vadd.f32 v42, v32;
	v19 =	vxor.u32 v19, v29;
	v18 =	vsub.f32 v18, v9  }
0x69: {  	v29 =	vmul.f32 $1.442695020e+00, v19;
	v27 =	vxor.u32 v28, v27;
	(erf) = vpow2.f32 v10  }
0x6a: {  	v10 =	vadd.f32 v38, v31;
	v21 =	vxor.u32 v21, v30;
	v9 =	vmul.f32 v18, v9  }
0x6b: {  	v18 =	vmul.f32 $1.442695020e+00, v21;
	v21 =	vxor.u32 v23, v24;
	(erf) = vpow2.f32 v29;
	v19 =	vpop (erf)  }
0x6c: {  	v10 =	vadd.f32 v37, v10;
	v23 =	vmul.f32 $1.442695020e+00, v27;
	v24 =	vpop (erf);
	v9 =	vmul.f32 v9, v19  }
0x6d: {  	v27 =	vmul.f32 $1.442695020e+00, v21;
	v19 =	vadd.f32 $0.0e+00, v24;
	(erf) = vpow2.f32 v18  }
0x6e: {  	v18 =	vmul.f32 v32, v24;
	v10 =	vadd.f32 v34, v10;
	v24 =	vpop (erf);
	v9 =	vsel vm0, $0x0, v9  }
0x6f: {  	v19 =	vadd.f32 v24, v19;
	(erf) = vpow2.f32 v27;
	v0 =	vadd.f32 v9, v0  }
0x70: {  	v9 =	vadd.f32 $0.0e+00, v18;
	v18 =	vmul.f32 v42, v24;
	v10 =	vadd.f32 v16, v10;
	v21 =	vpop (erf)  }
0x71: {  	v24 =	vmul.f32 $1.442695020e+00, v26;
	v19 =	vadd.f32 v21, v19;
	(erf) = vpow2.f32 v23  }
0x72: {  	v9 =	vadd.f32 v18, v9;
	v18 =	vmul.f32 v38, v21;
	v10 =	vadd.f32 v14, v10;
	v21 =	vpop (erf)  }
0x73: {  	v23 =	vmul.f32 $1.442695020e+00, v25;
	v19 =	vadd.f32 v21, v19;
	(erf) = vpow2.f32 v24  }
0x74: {  	v9 =	vadd.f32 v18, v9;
	v18 =	vmul.f32 v37, v21;
	v10 =	vadd.f32 v13, v10;
	v21 =	vpop (erf)  }
0x75: {  	v22 =	vmul.f32 $1.442695020e+00, v22;
	v19 =	vadd.f32 v21, v19;
	(erf) = vpow2.f32 v23  }
0x76: {  	v9 =	vadd.f32 v18, v9;
	v18 =	vmul.f32 v34, v21;
	v10 =	vadd.f32 v8, v10;
	v21 =	vpop (erf)  }
0x77: {  	s13 =	sadd.s32 $0x80, s13;
	v23 =	vmul.f32 $1.442695020e+00, v20;
	v19 =	vadd.f32 v21, v19;
	(erf) = vpow2.f32 v22  }
0x78: {  	s16 =	sand.u32 $0x380, s13;
	s14 =	sand.u32 $0x1800, s15;
	v9 =	vadd.f32 v18, v9;
	v16 =	vmul.f32 v16, v21;
	v18 =	vadd.f32 v7, v10;
	v21 =	vpop (erf)  }
0x79: {  	v12 =	vmul.f32 $1.442695020e+00, v12;
	s14 =	sor.u32 s16, s14;
	v19 =	vadd.f32 v21, v19;
	(erf) = vpow2.f32 v23  }
0x7a: {  	v22 =	vadd.f32 v16, v9;
	v14 =	vmul.f32 v14, v21;
	v18 =	vadd.f32 v6, v18;
	v10 =	vld [tilespmem:s14+$0x470];
	v20 =	vpop (erf)  }
0x7b: {  	v11 =	vmul.f32 $1.442695020e+00, v11;
	v21 =	vld [tilespmem:s14+$0x2470];
	v19 =	vadd.f32 v20, v19;
	(erf) = vpow2.f32 v12  }
0x7c: {  	v12 =	vadd.f32 v14, v22;
	v13 =	vmul.f32 v13, v20;
	v14 =	vadd.f32 v5, v18;
	v9 =	vld [tilespmem:s14+$0x460];
	v16 =	vpop (erf)  }
0x7d: {  	v17 =	vmul.f32 $1.442695020e+00, v17;
	v18 =	vld [tilespmem:s14+$0x2460];
	v19 =	vadd.f32 v16, v19;
	(erf) = vpow2.f32 v11  }
0x7e: {  	v13 =	vadd.f32 v13, v12;
	v8 =	vmul.f32 v8, v16;
	v22 =	vadd.f32 v4, v14;
	v11 =	vld [tilespmem:s14+$0x450];
	v16 =	vpop (erf)  }
0x7f: {  	v15 =	vmul.f32 $1.442695020e+00, v15;
	v20 =	vld [tilespmem:s14+$0x2450];
	v19 =	vadd.f32 v16, v19;
	(erf) = vpow2.f32 v17  }
0x80: {  	v8 =	vadd.f32 v8, v13;
	v7 =	vmul.f32 v7, v16;
	v22 =	vadd.f32 v3, v22;
	v12 =	vld [tilespmem:s14+$0x440];
	v14 =	vpop (erf)  }
0x81: {  	v32 =	vcvt.s32.f32 v1;
	v1 =	vmovc v21;
	v16 =	vld [tilespmem:s14+$0x2440];
	v17 =	vadd.f32 v14, v19;
	(erf) = vpow2.f32 v15  }
0x82: {  	v7 =	vadd.f32 v7, v8;
	v6 =	vmul.f32 v6, v14;
	v19 =	vadd.f32 v2, v22;
	v15 =	vld [tilespmem:s14+$0x2430];
	v13 =	vpop (erf)  }
0x83: {  	v22 =	vld [tilespmem:s14+$0x2420];
	v14 =	vadd.f32 v13, v17  }
0x84: {  	v6 =	vadd.f32 v6, v7;
	v5 =	vmul.f32 v5, v13;
	v7 =	vadd.f32 v32, v19;
	v25 =	vld [tilespmem:s14+$0x2410];
	v8 =	vpop (erf)  }
0x85: {  	v31 =	vcvt.s32.f32 v18;
	v13 =	vcvt.s32.f32 v20;
	v26 =	vld [tilespmem:s14+$0x2400];
	v14 =	vadd.f32 v8, v14  }
0x86: {  	v19 =	vshll.u32 v1, $0x1F;
	v6 =	vadd.f32 v5, v6;
	v8 =	vmul.f32 v4, v8;
	v27 =	vld [tilespmem:s14+$0x2070];
	v21 =	vpop (erf);
	(xrf2) =	vadd.scan.msk.f32 $0xffff, v7  }
0x87: {  	v17 =	vshll.u32 v18, $0x1F;
	v4 =	vcvt.s32.f32 v16;
	v24 =	vld [tilespmem:s14+$0x2060];
	v7 =	vadd.f32 v21, v14  }
.Ltmp0:
0x88: {  	v5 =	vcvt.s32.f32 v15;
	v8 =	vadd.f32 v8, v6;
	v14 =	vmul.f32 v3, v21;
	v30 =	vld [tilespmem:s14+$0x2050];
	v28 =	vpop (erf);
	(pc) =	sbr.rel @p0 .LBB2_2-.Ltmp0, $4  }
0x89: {  	v18 =	vshll.u32 v20, $0x1F;
	v3 =	vmovc v13;
	v6 =	vcvt.s32.f32 v22;
	v29 =	vld [tilespmem:s14+$0x2040];
	v33 =	vadd.f32 v28, v7  }
0x8a: {  	v21 =	vshll.u32 v16, $0x1F;
	v13 =	vadd.f32 v14, v8;
	v16 =	vmul.f32 v2, v28;
	v23 =	vld [tilespmem:s14+$0x2030];
	v34 =	vpop (erf)  }
0x8b: {  	v20 =	vshll.u32 v15, $0x1F;
	v7 =	vcvt.s32.f32 v25;
	v2 =	vmovc v31;
	v28 =	vld [tilespmem:s14+$0x2020];
	v14 =	vadd.f32 v34, v33  }
0x8c: {  	s15 =	sadd.s32 $0x100, s15;
	v8 =	vcvt.s32.f32 v26;
	v15 =	vadd.f32 v16, v13;
	v16 =	vmul.f32 v32, v34;
	v31 =	vld [tilespmem:s14+$0x2010]  }
0x8d: {  	v13 =	vld [tilespmem:s14+$0x2000]  }
0x8e: {  	v32 =	vld [tilespmem:s14+$0x0];
	v33 =	vcvt.s32.f32 v27;
	v25 =	vshll.u32 v25, $0x1F  }
0x8f: {  	v22 =	vshll.u32 v22, $0x1F;
	v35 =	vcvt.s32.f32 v24;
	v26 =	vshll.u32 v26, $0x1F  }
0x90: {  	v34 =	vld [tilespmem:s14+$0x10];
	v37 =	vcvt.s32.f32 v30;
	v27 =	vshll.u32 v27, $0x1F;
	v30 =	vshll.u32 v30, $0x1F;
	v38, _, _ =	vpop (xrf2)  }
0x91: {  	v45 =	vshll.u32 v24, $0x1F;
	v10 =	vxor.u32 v10, v19;
	v41 =	vsub.f32 $2.560000000e+02, v38  }
0x92: {  	v43 =	vld [tilespmem:s14+$0x20];
	v9 =	vxor.u32 v9, v17;
	v12 =	vxor.u32 v12, v21;
	v42 =	vshll.u32 v13, $0x1F  }
0x93: {  	v39 =	vld [tilespmem:s14+$0x430];
	v11 =	vxor.u32 v11, v18;
	v32 =	vxor.u32 v32, v42;
	v38 =	vmul.f32 v41, v38  }
0x94: {  	v46 =	vld [tilespmem:s14+$0x30];
	v36 =	vcvt.s32.f32 v29;
	v63 =	vshll.u32 v31, $0x1F;
	v32 =	vmul.f32 $1.442695020e+00, v32  }
0x95: {  	v47 =	vld [tilespmem:s14+$0x420];
	v52 =	vcvt.s32.f32 v31;
	v34 =	vxor.u32 v34, v63;
	(erf) = vrcp.f32 v38  }
0x96: {  	v49 =	vld [tilespmem:s14+$0x40];
	v51 =	vshll.u32 v28, $0x1F;
	v34 =	vmul.f32 $1.442695020e+00, v34;
	(erf) = vpow2.f32 v32  }
0x97: {  	v54 =	vld [tilespmem:s14+$0x50];
	v13 =	vcvt.s32.f32 v13;
	v42 =	vcvt.s32.f32 v28;
	v28 =	vxor.u32 v43, v51  }
0x98: {  	v50 =	vld [tilespmem:s14+$0x410];
	v53 =	vshll.u32 v23, $0x1F;
	v28 =	vmul.f32 $1.442695020e+00, v28;
	(erf) = vpow2.f32 v34  }
0x99: {  	v56 =	vld [tilespmem:s14+$0x60];
	v40 =	vcvt.s32.f32 v23;
	v23 =	vxor.u32 v46, v53;
	v59 =	vadd.f32 v52, v13  }
0x9a: {  	v55 =	vld [tilespmem:s14+$0x400];
	v48 =	vshll.u32 v29, $0x1F;
	v57 =	vmul.f32 $1.442695020e+00, v23;
	(erf) = vpow2.f32 v28  }
0x9b: {  	v58 =	vld [tilespmem:s14+$0x70];
	v29 =	vxor.u32 v49, v48;
	v60 =	vxor.u32 v39, v20;
	v62 =	vadd.f32 v42, v59  }
0x9c: {  	v63 =	vxor.u32 v54, v30;
	v61 =	vmul.f32 $1.442695020e+00, v29;
	(erf) = vpow2.f32 v57  }
0x9d: {  	v25 =	vxor.u32 v50, v25;
	v19 =	vxor.u32 v47, v22;
	v21 =	vadd.f32 v40, v62  }
0x9e: {  	v17 =	vxor.u32 v56, v45;
	v38 =	vmul.f32 $1.442695020e+00, v63;
	(erf) = vpow2.f32 v61;
	v20 =	vpop (erf)  }
0x9f: {  	v39 =	vxor.u32 v55, v26;
	v17 =	vmul.f32 $1.442695020e+00, v17;
	v21 =	vadd.f32 v36, v21;
	v41 =	vpop (erf)  }
0xa0: {  	v23 =	vxor.u32 v58, v27;
	(erf) = vpow2.f32 v38;
	v13 =	vmul.f32 v13, v41  }
0xa1: {  	v43 =	vmul.f32 $1.442695020e+00, v23;
	v21 =	vadd.f32 v37, v21;
	v44 =	vadd.f32 $0.0e+00, v41;
	v45 =	vpop (erf)  }
0xa2: {  	(erf) = vpow2.f32 v17;
	v46 =	vmul.f32 v52, v45;
	v13 =	vadd.f32 $0.0e+00, v13  }
0xa3: {  	v24 =	vmul.f32 $1.442695020e+00, v39;
	v21 =	vadd.f32 v35, v21;
	v47 =	vpop (erf);
	v23 =	vadd.f32 v45, v44  }
0xa4: {  	(erf) = vpow2.f32 v43;
	v48 =	vmul.f32 v42, v47;
	v13 =	vadd.f32 v46, v13  }
0xa5: {  	v25 =	vmul.f32 $1.442695020e+00, v25;
	v21 =	vadd.f32 v33, v21;
	v50 =	vpop (erf);
	v49 =	vadd.f32 v47, v23  }
0xa6: {  	(erf) = vpow2.f32 v24;
	v51 =	vmul.f32 v40, v50;
	v13 =	vadd.f32 v48, v13  }
0xa7: {  	v19 =	vmul.f32 $1.442695020e+00, v19;
	v21 =	vadd.f32 v8, v21;
	v52 =	vpop (erf);
	v22 =	vadd.f32 v50, v49  }
0xa8: {  	(erf) = vpow2.f32 v25;
	v53 =	vmul.f32 v36, v52;
	v13 =	vadd.f32 v51, v13  }
0xa9: {  	v18 =	vmul.f32 $1.442695020e+00, v60;
	v56 =	vadd.f32 v7, v21;
	v54 =	vpop (erf);
	v22 =	vadd.f32 v52, v22  }
0xaa: {  	(erf) = vpow2.f32 v19;
	v55 =	vmul.f32 v37, v54;
	v13 =	vadd.f32 v53, v13  }
0xab: {  	v12 =	vmul.f32 $1.442695020e+00, v12;
	v60 =	vadd.f32 v6, v56;
	v58 =	vpop (erf);
	v57 =	vadd.f32 v54, v22  }
0xac: {  	(erf) = vpow2.f32 v18;
	v59 =	vmul.f32 v35, v58;
	v13 =	vadd.f32 v55, v13  }
0xad: {  	v11 =	vmul.f32 $1.442695020e+00, v11;
	v23 =	vadd.f32 v5, v60;
	v62 =	vpop (erf);
	v61 =	vadd.f32 v58, v57  }
0xae: {  	(erf) = vpow2.f32 v12;
	v22 =	vmul.f32 v33, v62;
	v63 =	vadd.f32 v59, v13  }
0xaf: {  	v9 =	vmul.f32 $1.442695020e+00, v9;
	v25 =	vpop (erf);
	v28 =	vadd.f32 v4, v23;
	v24 =	vadd.f32 v62, v61  }
0xb0: {  	(erf) = vpow2.f32 v11;
	v27 =	vmul.f32 v8, v25;
	v26 =	vadd.f32 v22, v63  }
0xb1: {  	v10 =	vmul.f32 $1.442695020e+00, v10;
	v30 =	vpop (erf);
	v32 =	vadd.f32 v3, v28;
	v29 =	vadd.f32 v25, v24  }
0xb2: {  	(erf) = vpow2.f32 v9;
	v31 =	vmul.f32 v7, v30;
	v8 =	vadd.f32 v27, v26  }
0xb3: {  	v1 =	vcvt.s32.f32 v1;
	v36 =	vadd.f32 v2, v32;
	v34 =	vpop (erf);
	v33 =	vadd.f32 v30, v29  }
0xb4: {  	(erf) = vpow2.f32 v10;
	v35 =	vmul.f32 v6, v34;
	v7 =	vadd.f32 v31, v8  }
0xb5: {  	v37 =	vadd.f32 v16, v15;
	v39 =	vpop (erf);
	v38 =	vadd.f32 v34, v33  }
0xb6: {  	(xrf2) =	vadd.scan.msk.f32 $0xffff, v14;
	v41 =	vadd.f32 v1, v36;
	v40 =	vmul.f32 v5, v39;
	v6 =	vadd.f32 v35, v7  }
0xb7: {  	(xrf2) =	vadd.scan.msk.f32 $0xffff, v37;
	v43 =	vpop (erf);
	v42 =	vadd.f32 v39, v38  }
0xb8: {  	(xrf2) =	vadd.scan.msk.f32 $0xffff, v41;
	v44 =	vmul.f32 v4, v43;
	v5 =	vadd.f32 v40, v6  }
0xb9: {  	v46 =	vpop (erf);
	v45 =	vadd.f32 v43, v42  }
0xba: {  	v47 =	vmul.f32 v3, v46;
	v4 =	vadd.f32 v44, v5  }
0xbb: {  	v49 =	vpop (erf);
	v48 =	vadd.f32 v46, v45  }
0xbc: {  	v50 =	vmul.f32 v2, v49;
	v3 =	vadd.f32 v47, v4  }
0xbd: {  	v52 =	vpop (erf);
	v51 =	vadd.f32 v49, v48  }
0xbe: {  	v1 =	vmul.f32 v1, v52;
	v2 =	vadd.f32 v50, v3  }
0xbf: {  	v53 =	vadd.f32 v52, v51  }
0xc0: {  	v54, _, _ =	vpop (xrf2);
	v1 =	vadd.f32 v1, v2  }
0xc1: {  	v55, _, _ =	vpop (xrf2);
	(xrf2) =	vadd.scan.msk.f32 $0xffff, v53  }
0xc2: {  	v56, _, _ =	vpop (xrf2);
	(xrf2) =	vadd.scan.msk.f32 $0xffff, v1  }
0xc3: {  	v57 =	vsub.f32 $2.560000000e+02, v56;
	_ =	sdelay $0x1  }
0xc4: {  	v1 =	vmul.f32 v57, v56;
	_ =	sdelay $0x1  }
0xc5: {  	(erf) = vrcp.f32 v1;
	_ =	sdelay $0x3  }
0xc6: {  	v58 =	vsub.f32 v54, v55;
	v59, _, _ =	vpop (xrf2)  }
0xc7: {  	v60, _, _ =	vpop (xrf2)  }
0xc8: {  	v1 =	vmul.f32 v58, v55;
	v61 =	vsub.f32 v59, v60;
	_ =	sdelay $0x1  }
0xc9: {  	v1 =	vmul.f32 v1, v20;
	v2 =	vmul.f32 v61, v60  }
0xca: {  	v62 =	vpop (erf)  }
0xcb: {  	v1 =	vsel vm0, $0x0, v1;
	v2 =	vmul.f32 v2, v62  }
0xcc: {  	v0 =	vadd.f32 v1, v0  }
0xcd: {  	v63 =	vsel vm0, $0x0, v2  }
0xce: {  	s12 =	sadd.s32 $0x1, s12;
	v0 =	vadd.f32 v63, v0  }
0xcf: {  	p0 =	sne.s32 s12, s6  }
.Ltmp1:
0xd0: {  	[tilespmem:$0x4000] =	vst v0;
	(pc) =	sbr.rel @p0 .LBB2_1-.Ltmp1, $4  }
0xd1: {  	[hbm4b:s5+s2] =	stream.linear.scatter [tilespmem:s10], [sflag:$0x3], $0x10, $0x38;
	[tilespmem:$0x4080] =	vst v63  }
0xd2: {  	_ =	swait.ge [sflag:s11], $0x10  }
0xd3: {  	[sflag:s11] =	ssyncset.done $0x0  }
0xd4: {  	[sflag:s11] =	ssyncadd.s32 $0xFFFFFFF0  }
0xd5: {  	_ =	sfence.sel $0x180000  }
0xd6: {  	[bflag:$0x0] =	sbarrier.arrive $0xFFFF  }
0xd7: {  	p0 =	sne.s32 s1, $0x0;
	_ =	strace $0x90000047  }
0xd8: {  	s0 =	sadd.s32 @!p0 $0x100000, s0;
	[bflag:$0x2] =	sbarrier.arrive $0xFFFF  }
0xd9: {  	[sflag:s0] =	ssyncadd.tile.s32 @!p0 $0x1;
	_ =	shalt  }
.Lfunc_end2:
_tile_overlayer_lowered:
.L_overlay_start_2:
0xda: {  	(tag) =	ssettag $0x2  }
0xdb: {  	s0 =	rddreg [dreg:$0x0];
	s2 =	stileid.u32  }
0xdc: {  	s1 =	rddreg [dreg:$0x1];
	p0 =	sne.s32 s2, $0x0  }
0xdd: {  	s3 =	rddreg [dreg:$0x2];
	[bflag:$0x3] =	sbarrier.arrive $0xFFFF;
	s2 =	simm.s32 @!p0 $0x1C03  }
0xde: {  	[timem:s3], [sflag:s2] =	dma.local @!p0 [hbm:s0], s1  }
0xdf: {  	s0 =	simm.s32 @!p0 $0x3  }
0xe0: {  	_ =	swait.ge @!p0 [sflag:s0], s1  }
0xe1: {  	s1 =	ssub.s32 @!p0 $0x0, s1;
	[sflag:s0] =	ssyncset.done @!p0 $0x0  }
0xe2: {  	[sflag:s0] =	ssyncadd.s32 @!p0 s1  }
0xe3: {  	[bflag:$0x3] =	sbarrier.arrive $0xFFFF  }
0xe4: {  	_ =	shalt  }

</sc_bundles>
